<compile_context>
chip_gen: v7x
topology: tpu7x:2x2x1
jax: 0.10.2.dev20260603
libtpu: 0.0.44.dev20260713+nightly
codegen_flags: <defaults>
</compile_context>

<pallas_src>
import numpy as np
import jax
import jax.numpy as jnp
from jax import lax
from jax.experimental import pallas as pl
from jax.experimental.pallas import tpu as pltpu
from jax.experimental.pallas import tpu_sc as plsc

_N = 4194304
_C = 10
_FINE = 60
_LANES = 16
_NC = 2
_NS = 16
_NW = _NC * _NS
_KINDS = 3
_HIST = _KINDS * _FINE * _LANES
_NBANK = 1
_SPW = _N // _NW
_CH = 2048
_NCH = _SPW // _CH
_GROUPS = _CH // _LANES


def _sc_body(o_hbm, t_hbm, out_hbm,
             ob0, ob1, tb0, tb1, hist, so0, so1, st0, st1):
    cid = lax.axis_index("c")
    sid = lax.axis_index("s")
    wid = sid * _NC + cid
    lane = lax.broadcasted_iota(jnp.int32, (_LANES,), 0)
    ones_f = jnp.ones((_LANES,), jnp.float32)

    def zero_body(i, carry):
        for j in range(128 // _LANES):
            hist[i, pl.ds(j * _LANES, _LANES)] = jnp.zeros((_LANES,), jnp.float32)
        return carry

    lax.fori_loop(0, _NBANK * _KINDS * _FINE, zero_body, 0)

    base = wid * _SPW

    def start(ci, ob, tb, so, st):
        off = base + ci * _CH
        pltpu.async_copy(o_hbm.at[:, pl.ds(off, _CH)], ob, so)
        pltpu.async_copy(t_hbm.at[pl.ds(off, _CH)], tb, st)

    def wait(ci, ob, tb, so, st):
        off = base + ci * _CH
        pltpu.make_async_copy(o_hbm.at[:, pl.ds(off, _CH)], ob, so).wait()
        pltpu.make_async_copy(t_hbm.at[pl.ds(off, _CH)], tb, st).wait()

    def compute(ob, tb):
        @plsc.parallel_loop(0, _GROUPS, unroll=4)
        def group_body(g):
            ocs = [ob[c, pl.ds(g * _LANES, _LANES)] for c in range(_C)]
            m = ocs[0]
            for c in range(1, _C):
                m = jnp.maximum(m, ocs[c])
            es = [jnp.exp(oc) for oc in ocs]
            s = es[0]
            for c in range(1, _C):
                s = s + es[c]
            conf = jnp.exp(m) / s
            tv = tb[pl.ds(g * _LANES, _LANES)]
            cols = g * _LANES + lane
            ot = plsc.load_gather(ob, [tv, cols])
            correct = jnp.where(ot == m, jnp.float32(1.0), jnp.float32(0.0))
            bini = (conf * jnp.float32(_FINE)).astype(jnp.int32)
            bini = jnp.minimum(bini, _FINE - 1)
            plsc.addupdate_scatter(hist, [bini, lane], ones_f)
            plsc.addupdate_scatter(hist, [bini + _FINE, lane], correct)
            plsc.addupdate_scatter(hist, [bini + 2 * _FINE, lane], conf)

    start(0, ob0, tb0, so0, st0)

    def chunk_pair(ph, carry):
        ci = ph * 2
        start(ci + 1, ob1, tb1, so1, st1)
        wait(ci, ob0, tb0, so0, st0)
        compute(ob0, tb0)

        @pl.when(ci + 2 < _NCH)
        def _():
            start(ci + 2, ob0, tb0, so0, st0)

        wait(ci + 1, ob1, tb1, so1, st1)
        compute(ob1, tb1)
        return carry

    lax.fori_loop(0, _NCH // 2, chunk_pair, 0)
    pltpu.sync_copy(hist, out_hbm.at[:, pl.ds(wid * 128, 128)])


import functools


@functools.lru_cache(maxsize=1)
def _get_sc_call():
    return pl.kernel(
        _sc_body,
        out_type=jax.ShapeDtypeStruct((_NBANK * _KINDS * _FINE, _NW * 128), jnp.float32),
        mesh=plsc.VectorSubcoreMesh(core_axis_name="c", subcore_axis_name="s"),
        compiler_params=pltpu.CompilerParams(
            needs_layout_passes=False,
            disable_bounds_checks=True,
            use_tc_tiling_on_sc=True,
        ),
        scratch_types=[
            pltpu.VMEM((_C, _CH), jnp.float32),
            pltpu.VMEM((_C, _CH), jnp.float32),
            pltpu.VMEM((_CH,), jnp.int32),
            pltpu.VMEM((_CH,), jnp.int32),
            pltpu.VMEM((_NBANK * _KINDS * _FINE, 128), jnp.float32),
            pltpu.SemaphoreType.DMA,
            pltpu.SemaphoreType.DMA,
            pltpu.SemaphoreType.DMA,
            pltpu.SemaphoreType.DMA,
        ],
    )


def _build_agg() -> np.ndarray:
    g = np.zeros((3 * 45, _NBANK * 3 * _FINE), np.float32)
    for bank in range(_NBANK):
        for kind in range(3):
            colbase = 0
            for nb in (10, 15, 20):
                ratio = _FINE // nb
                for j in range(_FINE):
                    g[kind * 45 + colbase + j // ratio,
                      bank * 3 * _FINE + kind * _FINE + j] = 1.0
                colbase += nb
    return g


_AGG = _build_agg()


def _tc_body(h_ref, g_ref, out_ref):
    h = h_ref[:]
    rows = jnp.sum(h, axis=1, keepdims=True)
    coarse = jnp.dot(g_ref[:], rows,
                     preferred_element_type=jnp.float32)
    s = coarse[0:45]
    co = coarse[45:90]
    cf = coarse[90:135]
    denom = jnp.maximum(s, 1.0)
    acc = co / denom
    av = cf / denom
    per = jnp.where(s > 0.0, (av - acc) ** 2 * s, 0.0)
    out_ref[:, :] = jnp.sum(per).reshape(1, 1) * jnp.float32(1.0 / 3.0)


_tc_call = pl.pallas_call(
    _tc_body,
    out_shape=jax.ShapeDtypeStruct((1, 1), jnp.float32),
)


def kernel(o, t):
    hists = _get_sc_call()(o.T, t)
    res = _tc_call(hists, _AGG)
    return res[0, 0]

# --- scband reference (transcript-rebuilt; emitter-appended) ---
"""Pipeline reference for scband-calib-idea-bins-20615843020887 (READ-ONLY COPY).

The authoritative reference and input builder live on the scoring server;
editing this copy changes nothing except your own understanding.
"""

import jax, jax.numpy as jnp
import numpy as np

BINS_FOR_TRAIN = [10, 15, 20]
CALIB_COST_INDEX = 1
LAMDA = 1.0
N = 4194304
C = 10


def setup_inputs(seed: int = 0) -> dict:
    key = jax.random.key(seed)
    k1, k2 = jax.random.split(key)
    o = jax.random.normal(k1, (N, C), dtype=jnp.float32)
    t = jax.random.randint(k2, (N,), 0, C, dtype=jnp.int32)
    return {"o": o, "t": t}


def _cost_conf(o, t):
    # softmax probabilities, predicted class, confidence (max prob)
    prob = jax.nn.softmax(o, axis=1)
    conf = jnp.max(prob, axis=1)
    pred = jnp.argmax(prob, axis=1)
    correct = (pred == t).astype(jnp.float32)

    COST = jnp.asarray(0.0, dtype=jnp.float32)
    for n_bins in BINS_FOR_TRAIN:
        edges = jnp.linspace(0.0, 1.0, n_bins + 1)
        # histogram binning of confidences: bin index in [0, n_bins-1]
        bin_idx = jnp.clip(jnp.searchsorted(edges, conf, side='right') - 1, 0, n_bins - 1)
        ones = jnp.ones_like(conf)
        samples_per_bin = jax.ops.segment_sum(ones, bin_idx, num_segments=n_bins)
        denom = jnp.maximum(samples_per_bin, 1.0)
        # accuracy per bin (detached in original: a.detach())
        acc_per_bin = jax.lax.stop_gradient(
            jax.ops.segment_sum(correct, bin_idx, num_segments=n_bins) / denom
        )
        # average confidence per bin (gradient flows through conf)
        avg_conf_per_bin = jax.ops.segment_sum(conf, bin_idx, num_segments=n_bins) / denom
        # calib_cost with index == 1: (c - a.detach())**2 * s, only for non-empty bins
        per_bin_cost = jnp.where(
            samples_per_bin > 0.0,
            (avg_conf_per_bin - acc_per_bin) ** 2 * samples_per_bin,
            0.0,
        )
        COST = COST + jnp.sum(per_bin_cost)
    COST = COST * (LAMDA / float(len(BINS_FOR_TRAIN)))
    return COST


def reference(o, t):
    return _cost_conf(o, t)

if __name__ == "__main__":
    import jax
    _d = setup_inputs()
    print(jax.jit(kernel)(*tuple(_d.values())))

</pallas_src>

<mosaic_0001>
#map = affine_map<(d0, d1) -> (0, 0)>
#map1 = affine_map<(d0, d1) -> (0)>
module attributes {stable_mosaic.version = 14 : i64} {
  func.func @_sc_body(%arg0: i32, %arg1: i32, %arg2: memref<10x4194304xf32, #tpu.memory_space<hbm>>, %arg3: memref<4194304xi32, #tpu.memory_space<hbm>>, %arg4: memref<180x4096xf32, #tpu.memory_space<hbm>>, %arg5: memref<10x2048xf32, #tpu.memory_space<vmem>>, %arg6: memref<10x2048xf32, #tpu.memory_space<vmem>>, %arg7: memref<2048xi32, #tpu.memory_space<vmem>>, %arg8: memref<2048xi32, #tpu.memory_space<vmem>>, %arg9: memref<180x128xf32, #tpu.memory_space<vmem>>, %arg10: memref<!tpu.dma_semaphore, #tpu.memory_space<semaphore_mem>>, %arg11: memref<!tpu.dma_semaphore, #tpu.memory_space<semaphore_mem>>, %arg12: memref<!tpu.dma_semaphore, #tpu.memory_space<semaphore_mem>>, %arg13: memref<!tpu.dma_semaphore, #tpu.memory_space<semaphore_mem>>) attributes {dimension_semantics = [#tpu.dimension_semantics<core_parallel>, #tpu.dimension_semantics<subcore_parallel>], iteration_bounds = array<i64: 2, 16>, scalar_prefetch = 0 : i64, scratch_operands = 9 : i64, tpu.core_type = #tpu.core_type<sc_vector_subcore>, window_params = [{transform_indices = #map}, {transform_indices = #map1}, {transform_indices = #map}]} {
    %mul3A = arith.constant 2 : i32
    %mul3A_0 = arith.muli %arg1, %mul3A : i32
    %add3A = arith.addi %mul3A_0, %arg0 : i32
    %iota3A = tpu.iota {dimensions = array<i32: 0>} : vector<16xi32>
    %broadcast_in_dim3A = arith.constant 1.000000e+00 : f32
    %broadcast_in_dim3A_1 = vector.broadcast %broadcast_in_dim3A : f32 to vector<16xf32>
    %scan3A = arith.constant 0 : i32
    %scan3A_2 = arith.constant 0 : i32
    %scan3A_3 = arith.constant 180 : i32
    %scan3A_4 = arith.addi %scan3A_2, %scan3A_3 : i32
    %scan3A_5 = arith.constant 1 : i32
    scf.for %scan3A_24 = %scan3A_2 to %scan3A_4 step %scan3A_5  : i32 {
      %broadcast_in_dim3A_25 = arith.constant 0.000000e+00 : f32
      %broadcast_in_dim3A_26 = vector.broadcast %broadcast_in_dim3A_25 : f32 to vector<16xf32>
      %swap3A = arith.index_cast %scan3A_24 : i32 to index
      %swap3A_27 = arith.constant 0 : index
      %swap3A_28 = tpu.vector_load %arg9[%swap3A, %swap3A_27] {strides = array<i32>} : memref<180x128xf32, #tpu.memory_space<vmem>>, vector<16xf32>,
      tpu.vector_store %arg9[%swap3A, %swap3A_27], %broadcast_in_dim3A_26 {strides = array<i32>} : memref<180x128xf32, #tpu.memory_space<vmem>>, vector<16xf32>,
      %broadcast_in_dim3A_29 = arith.constant 0.000000e+00 : f32
      %broadcast_in_dim3A_30 = vector.broadcast %broadcast_in_dim3A_29 : f32 to vector<16xf32>
      %swap3A_31 = arith.index_cast %scan3A_24 : i32 to index
      %swap3A_32 = arith.constant 16 : index
      %swap3A_33 = tpu.vector_load %arg9[%swap3A_31, %swap3A_32] {strides = array<i32>} : memref<180x128xf32, #tpu.memory_space<vmem>>, vector<16xf32>,
      tpu.vector_store %arg9[%swap3A_31, %swap3A_32], %broadcast_in_dim3A_30 {strides = array<i32>} : memref<180x128xf32, #tpu.memory_space<vmem>>, vector<16xf32>,
      %broadcast_in_dim3A_34 = arith.constant 0.000000e+00 : f32
      %broadcast_in_dim3A_35 = vector.broadcast %broadcast_in_dim3A_34 : f32 to vector<16xf32>
      %swap3A_36 = arith.index_cast %scan3A_24 : i32 to index
      %swap3A_37 = arith.constant 32 : index
      %swap3A_38 = tpu.vector_load %arg9[%swap3A_36, %swap3A_37] {strides = array<i32>} : memref<180x128xf32, #tpu.memory_space<vmem>>, vector<16xf32>,
      tpu.vector_store %arg9[%swap3A_36, %swap3A_37], %broadcast_in_dim3A_35 {strides = array<i32>} : memref<180x128xf32, #tpu.memory_space<vmem>>, vector<16xf32>,
      %broadcast_in_dim3A_39 = arith.constant 0.000000e+00 : f32
      %broadcast_in_dim3A_40 = vector.broadcast %broadcast_in_dim3A_39 : f32 to vector<16xf32>
      %swap3A_41 = arith.index_cast %scan3A_24 : i32 to index
      %swap3A_42 = arith.constant 48 : index
      %swap3A_43 = tpu.vector_load %arg9[%swap3A_41, %swap3A_42] {strides = array<i32>} : memref<180x128xf32, #tpu.memory_space<vmem>>, vector<16xf32>,
      tpu.vector_store %arg9[%swap3A_41, %swap3A_42], %broadcast_in_dim3A_40 {strides = array<i32>} : memref<180x128xf32, #tpu.memory_space<vmem>>, vector<16xf32>,
      %broadcast_in_dim3A_44 = arith.constant 0.000000e+00 : f32
      %broadcast_in_dim3A_45 = vector.broadcast %broadcast_in_dim3A_44 : f32 to vector<16xf32>
      %swap3A_46 = arith.index_cast %scan3A_24 : i32 to index
      %swap3A_47 = arith.constant 64 : index
      %swap3A_48 = tpu.vector_load %arg9[%swap3A_46, %swap3A_47] {strides = array<i32>} : memref<180x128xf32, #tpu.memory_space<vmem>>, vector<16xf32>,
      tpu.vector_store %arg9[%swap3A_46, %swap3A_47], %broadcast_in_dim3A_45 {strides = array<i32>} : memref<180x128xf32, #tpu.memory_space<vmem>>, vector<16xf32>,
      %broadcast_in_dim3A_49 = arith.constant 0.000000e+00 : f32
      %broadcast_in_dim3A_50 = vector.broadcast %broadcast_in_dim3A_49 : f32 to vector<16xf32>
      %swap3A_51 = arith.index_cast %scan3A_24 : i32 to index
      %swap3A_52 = arith.constant 80 : index
      %swap3A_53 = tpu.vector_load %arg9[%swap3A_51, %swap3A_52] {strides = array<i32>} : memref<180x128xf32, #tpu.memory_space<vmem>>, vector<16xf32>,
      tpu.vector_store %arg9[%swap3A_51, %swap3A_52], %broadcast_in_dim3A_50 {strides = array<i32>} : memref<180x128xf32, #tpu.memory_space<vmem>>, vector<16xf32>,
      %broadcast_in_dim3A_54 = arith.constant 0.000000e+00 : f32
      %broadcast_in_dim3A_55 = vector.broadcast %broadcast_in_dim3A_54 : f32 to vector<16xf32>
      %swap3A_56 = arith.index_cast %scan3A_24 : i32 to index
      %swap3A_57 = arith.constant 96 : index
      %swap3A_58 = tpu.vector_load %arg9[%swap3A_56, %swap3A_57] {strides = array<i32>} : memref<180x128xf32, #tpu.memory_space<vmem>>, vector<16xf32>,
      tpu.vector_store %arg9[%swap3A_56, %swap3A_57], %broadcast_in_dim3A_55 {strides = array<i32>} : memref<180x128xf32, #tpu.memory_space<vmem>>, vector<16xf32>,
      %broadcast_in_dim3A_59 = arith.constant 0.000000e+00 : f32
      %broadcast_in_dim3A_60 = vector.broadcast %broadcast_in_dim3A_59 : f32 to vector<16xf32>
      %swap3A_61 = arith.index_cast %scan3A_24 : i32 to index
      %swap3A_62 = arith.constant 112 : index
      %swap3A_63 = tpu.vector_load %arg9[%swap3A_61, %swap3A_62] {strides = array<i32>} : memref<180x128xf32, #tpu.memory_space<vmem>>, vector<16xf32>,
      tpu.vector_store %arg9[%swap3A_61, %swap3A_62], %broadcast_in_dim3A_60 {strides = array<i32>} : memref<180x128xf32, #tpu.memory_space<vmem>>, vector<16xf32>,
    }
    %scan3A_6 = arith.constant 180 : i32
    %mul3A_7 = arith.constant 131072 : i32
    %mul3A_8 = arith.muli %add3A, %mul3A_7 : i32
    %add3A_9 = arith.constant 0 : i32
    %add3A_10 = arith.addi %mul3A_8, %add3A_9 : i32
    %dma_start3A = arith.constant 0 : i32
    %dma_start3A_11 = tpu.memref_slice %arg2[%dma_start3A, %add3A_10] : memref<10x4194304xf32, #tpu.memory_space<hbm>> -> memref<10x2048xf32, #tpu.memory_space<hbm>>
    %dma_start3A_12 = arith.constant 0 : i32
    %dma_start3A_13 = tpu.memref_slice %arg2[%dma_start3A_12, %add3A_10] : memref<10x4194304xf32, #tpu.memory_space<hbm>> -> memref<10x2048xf32, #tpu.memory_space<hbm>>
    tpu.enqueue_dma source(%dma_start3A_13 : memref<10x2048xf32, #tpu.memory_space<hbm>>) target(%arg5 : memref<10x2048xf32, #tpu.memory_space<vmem>>) target_semaphore(%arg10 : memref<!tpu.dma_semaphore, #tpu.memory_space<semaphore_mem>>)
    %dma_start3A_14 = tpu.memref_slice %arg3[%add3A_10] : memref<4194304xi32, #tpu.memory_space<hbm>> -> memref<2048xi32, #tpu.memory_space<hbm>>
    %dma_start3A_15 = tpu.memref_slice %arg3[%add3A_10] : memref<4194304xi32, #tpu.memory_space<hbm>> -> memref<2048xi32, #tpu.memory_space<hbm>>
    tpu.enqueue_dma source(%dma_start3A_15 : memref<2048xi32, #tpu.memory_space<hbm>>) target(%arg7 : memref<2048xi32, #tpu.memory_space<vmem>>) target_semaphore(%arg12 : memref<!tpu.dma_semaphore, #tpu.memory_space<semaphore_mem>>)
    %scan3A_16 = arith.constant 0 : i32
    %scan3A_17 = arith.constant 0 : i32
    %scan3A_18 = arith.constant 32 : i32
    %scan3A_19 = arith.addi %scan3A_17, %scan3A_18 : i32
    %scan3A_20 = arith.constant 1 : i32
    scf.for %scan3A_24 = %scan3A_17 to %scan3A_19 step %scan3A_20  : i32 {
      %mul3A_25 = arith.constant 2 : i32
      %mul3A_26 = arith.muli %scan3A_24, %mul3A_25 : i32
      %add3A_27 = arith.constant 1 : i32
      %add3A_28 = arith.addi %mul3A_26, %add3A_27 : i32
      %mul3A_29 = arith.constant 2048 : i32
      %mul3A_30 = arith.muli %add3A_28, %mul3A_29 : i32
      %add3A_31 = arith.addi %mul3A_8, %mul3A_30 : i32
      %dma_start3A_32 = arith.constant 0 : i32
      %dma_start3A_33 = tpu.memref_slice %arg2[%dma_start3A_32, %add3A_31] : memref<10x4194304xf32, #tpu.memory_space<hbm>> -> memref<10x2048xf32, #tpu.memory_space<hbm>>
      %dma_start3A_34 = arith.constant 0 : i32
      %dma_start3A_35 = tpu.memref_slice %arg2[%dma_start3A_34, %add3A_31] : memref<10x4194304xf32, #tpu.memory_space<hbm>> -> memref<10x2048xf32, #tpu.memory_space<hbm>>
      tpu.enqueue_dma source(%dma_start3A_35 : memref<10x2048xf32, #tpu.memory_space<hbm>>) target(%arg6 : memref<10x2048xf32, #tpu.memory_space<vmem>>) target_semaphore(%arg11 : memref<!tpu.dma_semaphore, #tpu.memory_space<semaphore_mem>>)
      %dma_start3A_36 = tpu.memref_slice %arg3[%add3A_31] : memref<4194304xi32, #tpu.memory_space<hbm>> -> memref<2048xi32, #tpu.memory_space<hbm>>
      %dma_start3A_37 = tpu.memref_slice %arg3[%add3A_31] : memref<4194304xi32, #tpu.memory_space<hbm>> -> memref<2048xi32, #tpu.memory_space<hbm>>
      tpu.enqueue_dma source(%dma_start3A_37 : memref<2048xi32, #tpu.memory_space<hbm>>) target(%arg8 : memref<2048xi32, #tpu.memory_space<vmem>>) target_semaphore(%arg13 : memref<!tpu.dma_semaphore, #tpu.memory_space<semaphore_mem>>)
      %mul3A_38 = arith.constant 2048 : i32
      %mul3A_39 = arith.muli %mul3A_26, %mul3A_38 : i32
      %add3A_40 = arith.addi %mul3A_8, %mul3A_39 : i32
      %dma_wait3A = arith.constant 0 : i32
      %dma_wait3A_41 = tpu.memref_slice %arg2[%dma_wait3A, %add3A_40] : memref<10x4194304xf32, #tpu.memory_space<hbm>> -> memref<10x2048xf32, #tpu.memory_space<hbm>>
      %dma_wait3A_42 = arith.constant 0 : i32
      %dma_wait3A_43 = tpu.memref_slice %arg2[%dma_wait3A_42, %add3A_40] : memref<10x4194304xf32, #tpu.memory_space<hbm>> -> memref<10x2048xf32, #tpu.memory_space<hbm>>
      tpu.wait_dma2 semaphore(%arg10 : memref<!tpu.dma_semaphore, #tpu.memory_space<semaphore_mem>>) src(%dma_wait3A_43 : memref<10x2048xf32, #tpu.memory_space<hbm>>) dst(%arg5 : memref<10x2048xf32, #tpu.memory_space<vmem>>)
      %dma_wait3A_44 = tpu.memref_slice %arg3[%add3A_40] : memref<4194304xi32, #tpu.memory_space<hbm>> -> memref<2048xi32, #tpu.memory_space<hbm>>
      %dma_wait3A_45 = tpu.memref_slice %arg3[%add3A_40] : memref<4194304xi32, #tpu.memory_space<hbm>> -> memref<2048xi32, #tpu.memory_space<hbm>>
      tpu.wait_dma2 semaphore(%arg12 : memref<!tpu.dma_semaphore, #tpu.memory_space<semaphore_mem>>) src(%dma_wait3A_45 : memref<2048xi32, #tpu.memory_space<hbm>>) dst(%arg7 : memref<2048xi32, #tpu.memory_space<vmem>>)
      %parallel_loop3A = arith.constant 0 : i32
      %parallel_loop3A_46 = arith.constant 128 : i32
      %parallel_loop3A_47 = arith.constant 1 : i32
      scf.for %parallel_loop3A_66 = %parallel_loop3A to %parallel_loop3A_46 step %parallel_loop3A_47  : i32 {
        %parallel_loop3A_67 = arith.constant 16 : i32
        %parallel_loop3A_68 = arith.muli %parallel_loop3A_66, %parallel_loop3A_67 : i32
        %parallel_loop3A_69 = arith.constant 0 : i32
        %parallel_loop3A_70 = arith.index_cast %parallel_loop3A_69 : i32 to index
        %parallel_loop3A_71 = arith.index_cast %parallel_loop3A_68 : i32 to index
        %parallel_loop3A_72 = tpu.vector_load %arg5[%parallel_loop3A_70, %parallel_loop3A_71] {strides = array<i32>} : memref<10x2048xf32, #tpu.memory_space<vmem>>, vector<16xf32>,
        %parallel_loop3A_73 = arith.constant 16 : i32
        %parallel_loop3A_74 = arith.muli %parallel_loop3A_66, %parallel_loop3A_73 : i32
        %parallel_loop3A_75 = arith.constant 1 : i32
        %parallel_loop3A_76 = arith.index_cast %parallel_loop3A_75 : i32 to index
        %parallel_loop3A_77 = arith.index_cast %parallel_loop3A_74 : i32 to index
        %parallel_loop3A_78 = tpu.vector_load %arg5[%parallel_loop3A_76, %parallel_loop3A_77] {strides = array<i32>} : memref<10x2048xf32, #tpu.memory_space<vmem>>, vector<16xf32>,
        %parallel_loop3A_79 = arith.constant 16 : i32
        %parallel_loop3A_80 = arith.muli %parallel_loop3A_66, %parallel_loop3A_79 : i32
        %parallel_loop3A_81 = arith.constant 2 : i32
        %parallel_loop3A_82 = arith.index_cast %parallel_loop3A_81 : i32 to index
        %parallel_loop3A_83 = arith.index_cast %parallel_loop3A_80 : i32 to index
        %parallel_loop3A_84 = tpu.vector_load %arg5[%parallel_loop3A_82, %parallel_loop3A_83] {strides = array<i32>} : memref<10x2048xf32, #tpu.memory_space<vmem>>, vector<16xf32>,
        %parallel_loop3A_85 = arith.constant 16 : i32
        %parallel_loop3A_86 = arith.muli %parallel_loop3A_66, %parallel_loop3A_85 : i32
        %parallel_loop3A_87 = arith.constant 3 : i32
        %parallel_loop3A_88 = arith.index_cast %parallel_loop3A_87 : i32 to index
        %parallel_loop3A_89 = arith.index_cast %parallel_loop3A_86 : i32 to index
        %parallel_loop3A_90 = tpu.vector_load %arg5[%parallel_loop3A_88, %parallel_loop3A_89] {strides = array<i32>} : memref<10x2048xf32, #tpu.memory_space<vmem>>, vector<16xf32>,
        %parallel_loop3A_91 = arith.constant 16 : i32
        %parallel_loop3A_92 = arith.muli %parallel_loop3A_66, %parallel_loop3A_91 : i32
        %parallel_loop3A_93 = arith.constant 4 : i32
        %parallel_loop3A_94 = arith.index_cast %parallel_loop3A_93 : i32 to index
        %parallel_loop3A_95 = arith.index_cast %parallel_loop3A_92 : i32 to index
        %parallel_loop3A_96 = tpu.vector_load %arg5[%parallel_loop3A_94, %parallel_loop3A_95] {strides = array<i32>} : memref<10x2048xf32, #tpu.memory_space<vmem>>, vector<16xf32>,
        %parallel_loop3A_97 = arith.constant 16 : i32
        %parallel_loop3A_98 = arith.muli %parallel_loop3A_66, %parallel_loop3A_97 : i32
        %parallel_loop3A_99 = arith.constant 5 : i32
        %parallel_loop3A_100 = arith.index_cast %parallel_loop3A_99 : i32 to index
        %parallel_loop3A_101 = arith.index_cast %parallel_loop3A_98 : i32 to index
        %parallel_loop3A_102 = tpu.vector_load %arg5[%parallel_loop3A_100, %parallel_loop3A_101] {strides = array<i32>} : memref<10x2048xf32, #tpu.memory_space<vmem>>, vector<16xf32>,
        %parallel_loop3A_103 = arith.constant 16 : i32
        %parallel_loop3A_104 = arith.muli %parallel_loop3A_66, %parallel_loop3A_103 : i32
        %parallel_loop3A_105 = arith.constant 6 : i32
        %parallel_loop3A_106 = arith.index_cast %parallel_loop3A_105 : i32 to index
        %parallel_loop3A_107 = arith.index_cast %parallel_loop3A_104 : i32 to index
        %parallel_loop3A_108 = tpu.vector_load %arg5[%parallel_loop3A_106, %parallel_loop3A_107] {strides = array<i32>} : memref<10x2048xf32, #tpu.memory_space<vmem>>, vector<16xf32>,
        %parallel_loop3A_109 = arith.constant 16 : i32
        %parallel_loop3A_110 = arith.muli %parallel_loop3A_66, %parallel_loop3A_109 : i32
        %parallel_loop3A_111 = arith.constant 7 : i32
        %parallel_loop3A_112 = arith.index_cast %parallel_loop3A_111 : i32 to index
        %parallel_loop3A_113 = arith.index_cast %parallel_loop3A_110 : i32 to index
        %parallel_loop3A_114 = tpu.vector_load %arg5[%parallel_loop3A_112, %parallel_loop3A_113] {strides = array<i32>} : memref<10x2048xf32, #tpu.memory_space<vmem>>, vector<16xf32>,
        %parallel_loop3A_115 = arith.constant 16 : i32
        %parallel_loop3A_116 = arith.muli %parallel_loop3A_66, %parallel_loop3A_115 : i32
        %parallel_loop3A_117 = arith.constant 8 : i32
        %parallel_loop3A_118 = arith.index_cast %parallel_loop3A_117 : i32 to index
        %parallel_loop3A_119 = arith.index_cast %parallel_loop3A_116 : i32 to index
        %parallel_loop3A_120 = tpu.vector_load %arg5[%parallel_loop3A_118, %parallel_loop3A_119] {strides = array<i32>} : memref<10x2048xf32, #tpu.memory_space<vmem>>, vector<16xf32>,
        %parallel_loop3A_121 = arith.constant 16 : i32
        %parallel_loop3A_122 = arith.muli %parallel_loop3A_66, %parallel_loop3A_121 : i32
        %parallel_loop3A_123 = arith.constant 9 : i32
        %parallel_loop3A_124 = arith.index_cast %parallel_loop3A_123 : i32 to index
        %parallel_loop3A_125 = arith.index_cast %parallel_loop3A_122 : i32 to index
        %parallel_loop3A_126 = tpu.vector_load %arg5[%parallel_loop3A_124, %parallel_loop3A_125] {strides = array<i32>} : memref<10x2048xf32, #tpu.memory_space<vmem>>, vector<16xf32>,
        %parallel_loop3A_127 = arith.maximumf %parallel_loop3A_72, %parallel_loop3A_78 : vector<16xf32>
        %parallel_loop3A_128 = arith.maximumf %parallel_loop3A_127, %parallel_loop3A_84 : vector<16xf32>
        %parallel_loop3A_129 = arith.maximumf %parallel_loop3A_128, %parallel_loop3A_90 : vector<16xf32>
        %parallel_loop3A_130 = arith.maximumf %parallel_loop3A_129, %parallel_loop3A_96 : vector<16xf32>
        %parallel_loop3A_131 = arith.maximumf %parallel_loop3A_130, %parallel_loop3A_102 : vector<16xf32>
        %parallel_loop3A_132 = arith.maximumf %parallel_loop3A_131, %parallel_loop3A_108 : vector<16xf32>
        %parallel_loop3A_133 = arith.maximumf %parallel_loop3A_132, %parallel_loop3A_114 : vector<16xf32>
        %parallel_loop3A_134 = arith.maximumf %parallel_loop3A_133, %parallel_loop3A_120 : vector<16xf32>
        %parallel_loop3A_135 = arith.maximumf %parallel_loop3A_134, %parallel_loop3A_126 : vector<16xf32>
        %parallel_loop3A_136 = math.exp %parallel_loop3A_72 : vector<16xf32>
        %parallel_loop3A_137 = math.exp %parallel_loop3A_78 : vector<16xf32>
        %parallel_loop3A_138 = math.exp %parallel_loop3A_84 : vector<16xf32>
        %parallel_loop3A_139 = math.exp %parallel_loop3A_90 : vector<16xf32>
        %parallel_loop3A_140 = math.exp %parallel_loop3A_96 : vector<16xf32>
        %parallel_loop3A_141 = math.exp %parallel_loop3A_102 : vector<16xf32>
        %parallel_loop3A_142 = math.exp %parallel_loop3A_108 : vector<16xf32>
        %parallel_loop3A_143 = math.exp %parallel_loop3A_114 : vector<16xf32>
        %parallel_loop3A_144 = math.exp %parallel_loop3A_120 : vector<16xf32>
        %parallel_loop3A_145 = math.exp %parallel_loop3A_126 : vector<16xf32>
        %parallel_loop3A_146 = arith.addf %parallel_loop3A_136, %parallel_loop3A_137 : vector<16xf32>
        %parallel_loop3A_147 = arith.addf %parallel_loop3A_146, %parallel_loop3A_138 : vector<16xf32>
        %parallel_loop3A_148 = arith.addf %parallel_loop3A_147, %parallel_loop3A_139 : vector<16xf32>
        %parallel_loop3A_149 = arith.addf %parallel_loop3A_148, %parallel_loop3A_140 : vector<16xf32>
        %parallel_loop3A_150 = arith.addf %parallel_loop3A_149, %parallel_loop3A_141 : vector<16xf32>
        %parallel_loop3A_151 = arith.addf %parallel_loop3A_150, %parallel_loop3A_142 : vector<16xf32>
        %parallel_loop3A_152 = arith.addf %parallel_loop3A_151, %parallel_loop3A_143 : vector<16xf32>
        %parallel_loop3A_153 = arith.addf %parallel_loop3A_152, %parallel_loop3A_144 : vector<16xf32>
        %parallel_loop3A_154 = arith.addf %parallel_loop3A_153, %parallel_loop3A_145 : vector<16xf32>
        %parallel_loop3A_155 = math.exp %parallel_loop3A_135 : vector<16xf32>
        %parallel_loop3A_156 = arith.divf %parallel_loop3A_155, %parallel_loop3A_154 : vector<16xf32>
        %parallel_loop3A_157 = arith.constant 16 : i32
        %parallel_loop3A_158 = arith.muli %parallel_loop3A_66, %parallel_loop3A_157 : i32
        %parallel_loop3A_159 = arith.index_cast %parallel_loop3A_158 : i32 to index
        %parallel_loop3A_160 = tpu.vector_load %arg7[%parallel_loop3A_159] {strides = array<i32>} : memref<2048xi32, #tpu.memory_space<vmem>>, vector<16xi32>,
        %parallel_loop3A_161 = arith.constant 16 : i32
        %parallel_loop3A_162 = arith.muli %parallel_loop3A_66, %parallel_loop3A_161 : i32
        %parallel_loop3A_163 = vector.broadcast %parallel_loop3A_162 : i32 to vector<16xi32>
        %parallel_loop3A_164 = arith.addi %parallel_loop3A_163, %iota3A : vector<16xi32>
        %parallel_loop3A_165 = tpu.vector_load_idx %arg5[%parallel_loop3A_160, %parallel_loop3A_164] : memref<10x2048xf32, #tpu.memory_space<vmem>>[vector<16xi32>, vector<16xi32>], vector<16xf32>,
        %parallel_loop3A_166 = arith.cmpf oeq, %parallel_loop3A_165, %parallel_loop3A_135 : vector<16xf32>
        %parallel_loop3A_167 = arith.constant 1.000000e+00 : f32
        %parallel_loop3A_168 = arith.constant 0.000000e+00 : f32
        %parallel_loop3A_169 = vector.broadcast %parallel_loop3A_167 : f32 to vector<16xf32>
        %parallel_loop3A_170 = vector.broadcast %parallel_loop3A_168 : f32 to vector<16xf32>
        %parallel_loop3A_171 = arith.select %parallel_loop3A_166, %parallel_loop3A_169, %parallel_loop3A_170 : vector<16xi1>, vector<16xf32>
        %parallel_loop3A_172 = arith.constant 6.000000e+01 : f32
        %parallel_loop3A_173 = vector.broadcast %parallel_loop3A_172 : f32 to vector<16xf32>
        %parallel_loop3A_174 = arith.mulf %parallel_loop3A_156, %parallel_loop3A_173 : vector<16xf32>
        %parallel_loop3A_175 = arith.fptosi %parallel_loop3A_174 : vector<16xf32> to vector<16xi32>
        %parallel_loop3A_176 = arith.constant 59 : i32
        %parallel_loop3A_177 = vector.broadcast %parallel_loop3A_176 : i32 to vector<16xi32>
        %parallel_loop3A_178 = arith.minsi %parallel_loop3A_175, %parallel_loop3A_177 : vector<16xi32>
        tpu.vector_store_idx %arg9[%parallel_loop3A_178, %iota3A], %broadcast_in_dim3A_1 {add = true} : memref<180x128xf32, #tpu.memory_space<vmem>>[vector<16xi32>, vector<16xi32>], vector<16xf32>,
        %parallel_loop3A_179 = arith.constant 60 : i32
        %parallel_loop3A_180 = vector.broadcast %parallel_loop3A_179 : i32 to vector<16xi32>
        %parallel_loop3A_181 = arith.addi %parallel_loop3A_178, %parallel_loop3A_180 : vector<16xi32>
        tpu.vector_store_idx %arg9[%parallel_loop3A_181, %iota3A], %parallel_loop3A_171 {add = true} : memref<180x128xf32, #tpu.memory_space<vmem>>[vector<16xi32>, vector<16xi32>], vector<16xf32>,
        %parallel_loop3A_182 = arith.constant 120 : i32
        %parallel_loop3A_183 = vector.broadcast %parallel_loop3A_182 : i32 to vector<16xi32>
        %parallel_loop3A_184 = arith.addi %parallel_loop3A_178, %parallel_loop3A_183 : vector<16xi32>
        tpu.vector_store_idx %arg9[%parallel_loop3A_184, %iota3A], %parallel_loop3A_156 {add = true} : memref<180x128xf32, #tpu.memory_space<vmem>>[vector<16xi32>, vector<16xi32>], vector<16xf32>,
      } {sc.loop_unroll_factor = 4 : i64, sc.parallel_access}
      %add3A_48 = arith.constant 2 : i32
      %add3A_49 = arith.addi %mul3A_26, %add3A_48 : i32
      %lt3A = arith.constant 64 : i32
      %lt3A_50 = arith.cmpi slt, %add3A_49, %lt3A : i32
      %convert_element_type3A = arith.extui %lt3A_50 : i1 to i32
      %cond3A = arith.constant 0 : i32
      %cond3A_51 = arith.cmpi ne, %convert_element_type3A, %cond3A : i32
      scf.if %cond3A_51 {
        %add3A_66 = arith.constant 2 : i32
        %add3A_67 = arith.addi %mul3A_26, %add3A_66 : i32
        %mul3A_68 = arith.constant 2048 : i32
        %mul3A_69 = arith.muli %add3A_67, %mul3A_68 : i32
        %add3A_70 = arith.addi %mul3A_8, %mul3A_69 : i32
        %dma_start3A_71 = arith.constant 0 : i32
        %dma_start3A_72 = tpu.memref_slice %arg2[%dma_start3A_71, %add3A_70] : memref<10x4194304xf32, #tpu.memory_space<hbm>> -> memref<10x2048xf32, #tpu.memory_space<hbm>>
        %dma_start3A_73 = arith.constant 0 : i32
        %dma_start3A_74 = tpu.memref_slice %arg2[%dma_start3A_73, %add3A_70] : memref<10x4194304xf32, #tpu.memory_space<hbm>> -> memref<10x2048xf32, #tpu.memory_space<hbm>>
        tpu.enqueue_dma source(%dma_start3A_74 : memref<10x2048xf32, #tpu.memory_space<hbm>>) target(%arg5 : memref<10x2048xf32, #tpu.memory_space<vmem>>) target_semaphore(%arg10 : memref<!tpu.dma_semaphore, #tpu.memory_space<semaphore_mem>>)
        %dma_start3A_75 = tpu.memref_slice %arg3[%add3A_70] : memref<4194304xi32, #tpu.memory_space<hbm>> -> memref<2048xi32, #tpu.memory_space<hbm>>
        %dma_start3A_76 = tpu.memref_slice %arg3[%add3A_70] : memref<4194304xi32, #tpu.memory_space<hbm>> -> memref<2048xi32, #tpu.memory_space<hbm>>
        tpu.enqueue_dma source(%dma_start3A_76 : memref<2048xi32, #tpu.memory_space<hbm>>) target(%arg7 : memref<2048xi32, #tpu.memory_space<vmem>>) target_semaphore(%arg12 : memref<!tpu.dma_semaphore, #tpu.memory_space<semaphore_mem>>)
      } else {
      }
      %add3A_52 = arith.constant 1 : i32
      %add3A_53 = arith.addi %mul3A_26, %add3A_52 : i32
      %mul3A_54 = arith.constant 2048 : i32
      %mul3A_55 = arith.muli %add3A_53, %mul3A_54 : i32
      %add3A_56 = arith.addi %mul3A_8, %mul3A_55 : i32
      %dma_wait3A_57 = arith.constant 0 : i32
      %dma_wait3A_58 = tpu.memref_slice %arg2[%dma_wait3A_57, %add3A_56] : memref<10x4194304xf32, #tpu.memory_space<hbm>> -> memref<10x2048xf32, #tpu.memory_space<hbm>>
      %dma_wait3A_59 = arith.constant 0 : i32
      %dma_wait3A_60 = tpu.memref_slice %arg2[%dma_wait3A_59, %add3A_56] : memref<10x4194304xf32, #tpu.memory_space<hbm>> -> memref<10x2048xf32, #tpu.memory_space<hbm>>
      tpu.wait_dma2 semaphore(%arg11 : memref<!tpu.dma_semaphore, #tpu.memory_space<semaphore_mem>>) src(%dma_wait3A_60 : memref<10x2048xf32, #tpu.memory_space<hbm>>) dst(%arg6 : memref<10x2048xf32, #tpu.memory_space<vmem>>)
      %dma_wait3A_61 = tpu.memref_slice %arg3[%add3A_56] : memref<4194304xi32, #tpu.memory_space<hbm>> -> memref<2048xi32, #tpu.memory_space<hbm>>
      %dma_wait3A_62 = tpu.memref_slice %arg3[%add3A_56] : memref<4194304xi32, #tpu.memory_space<hbm>> -> memref<2048xi32, #tpu.memory_space<hbm>>
      tpu.wait_dma2 semaphore(%arg13 : memref<!tpu.dma_semaphore, #tpu.memory_space<semaphore_mem>>) src(%dma_wait3A_62 : memref<2048xi32, #tpu.memory_space<hbm>>) dst(%arg8 : memref<2048xi32, #tpu.memory_space<vmem>>)
      %parallel_loop3A_63 = arith.constant 0 : i32
      %parallel_loop3A_64 = arith.constant 128 : i32
      %parallel_loop3A_65 = arith.constant 1 : i32
      scf.for %parallel_loop3A_66 = %parallel_loop3A_63 to %parallel_loop3A_64 step %parallel_loop3A_65  : i32 {
        %parallel_loop3A_67 = arith.constant 16 : i32
        %parallel_loop3A_68 = arith.muli %parallel_loop3A_66, %parallel_loop3A_67 : i32
        %parallel_loop3A_69 = arith.constant 0 : i32
        %parallel_loop3A_70 = arith.index_cast %parallel_loop3A_69 : i32 to index
        %parallel_loop3A_71 = arith.index_cast %parallel_loop3A_68 : i32 to index
        %parallel_loop3A_72 = tpu.vector_load %arg6[%parallel_loop3A_70, %parallel_loop3A_71] {strides = array<i32>} : memref<10x2048xf32, #tpu.memory_space<vmem>>, vector<16xf32>,
        %parallel_loop3A_73 = arith.constant 16 : i32
        %parallel_loop3A_74 = arith.muli %parallel_loop3A_66, %parallel_loop3A_73 : i32
        %parallel_loop3A_75 = arith.constant 1 : i32
        %parallel_loop3A_76 = arith.index_cast %parallel_loop3A_75 : i32 to index
        %parallel_loop3A_77 = arith.index_cast %parallel_loop3A_74 : i32 to index
        %parallel_loop3A_78 = tpu.vector_load %arg6[%parallel_loop3A_76, %parallel_loop3A_77] {strides = array<i32>} : memref<10x2048xf32, #tpu.memory_space<vmem>>, vector<16xf32>,
        %parallel_loop3A_79 = arith.constant 16 : i32
        %parallel_loop3A_80 = arith.muli %parallel_loop3A_66, %parallel_loop3A_79 : i32
        %parallel_loop3A_81 = arith.constant 2 : i32
        %parallel_loop3A_82 = arith.index_cast %parallel_loop3A_81 : i32 to index
        %parallel_loop3A_83 = arith.index_cast %parallel_loop3A_80 : i32 to index
        %parallel_loop3A_84 = tpu.vector_load %arg6[%parallel_loop3A_82, %parallel_loop3A_83] {strides = array<i32>} : memref<10x2048xf32, #tpu.memory_space<vmem>>, vector<16xf32>,
        %parallel_loop3A_85 = arith.constant 16 : i32
        %parallel_loop3A_86 = arith.muli %parallel_loop3A_66, %parallel_loop3A_85 : i32
        %parallel_loop3A_87 = arith.constant 3 : i32
        %parallel_loop3A_88 = arith.index_cast %parallel_loop3A_87 : i32 to index
        %parallel_loop3A_89 = arith.index_cast %parallel_loop3A_86 : i32 to index
        %parallel_loop3A_90 = tpu.vector_load %arg6[%parallel_loop3A_88, %parallel_loop3A_89] {strides = array<i32>} : memref<10x2048xf32, #tpu.memory_space<vmem>>, vector<16xf32>,
        %parallel_loop3A_91 = arith.constant 16 : i32
        %parallel_loop3A_92 = arith.muli %parallel_loop3A_66, %parallel_loop3A_91 : i32
        %parallel_loop3A_93 = arith.constant 4 : i32
        %parallel_loop3A_94 = arith.index_cast %parallel_loop3A_93 : i32 to index
        %parallel_loop3A_95 = arith.index_cast %parallel_loop3A_92 : i32 to index
        %parallel_loop3A_96 = tpu.vector_load %arg6[%parallel_loop3A_94, %parallel_loop3A_95] {strides = array<i32>} : memref<10x2048xf32, #tpu.memory_space<vmem>>, vector<16xf32>,
        %parallel_loop3A_97 = arith.constant 16 : i32
        %parallel_loop3A_98 = arith.muli %parallel_loop3A_66, %parallel_loop3A_97 : i32
        %parallel_loop3A_99 = arith.constant 5 : i32
        %parallel_loop3A_100 = arith.index_cast %parallel_loop3A_99 : i32 to index
        %parallel_loop3A_101 = arith.index_cast %parallel_loop3A_98 : i32 to index
        %parallel_loop3A_102 = tpu.vector_load %arg6[%parallel_loop3A_100, %parallel_loop3A_101] {strides = array<i32>} : memref<10x2048xf32, #tpu.memory_space<vmem>>, vector<16xf32>,
        %parallel_loop3A_103 = arith.constant 16 : i32
        %parallel_loop3A_104 = arith.muli %parallel_loop3A_66, %parallel_loop3A_103 : i32
        %parallel_loop3A_105 = arith.constant 6 : i32
        %parallel_loop3A_106 = arith.index_cast %parallel_loop3A_105 : i32 to index
        %parallel_loop3A_107 = arith.index_cast %parallel_loop3A_104 : i32 to index
        %parallel_loop3A_108 = tpu.vector_load %arg6[%parallel_loop3A_106, %parallel_loop3A_107] {strides = array<i32>} : memref<10x2048xf32, #tpu.memory_space<vmem>>, vector<16xf32>,
        %parallel_loop3A_109 = arith.constant 16 : i32
        %parallel_loop3A_110 = arith.muli %parallel_loop3A_66, %parallel_loop3A_109 : i32
        %parallel_loop3A_111 = arith.constant 7 : i32
        %parallel_loop3A_112 = arith.index_cast %parallel_loop3A_111 : i32 to index
        %parallel_loop3A_113 = arith.index_cast %parallel_loop3A_110 : i32 to index
        %parallel_loop3A_114 = tpu.vector_load %arg6[%parallel_loop3A_112, %parallel_loop3A_113] {strides = array<i32>} : memref<10x2048xf32, #tpu.memory_space<vmem>>, vector<16xf32>,
        %parallel_loop3A_115 = arith.constant 16 : i32
        %parallel_loop3A_116 = arith.muli %parallel_loop3A_66, %parallel_loop3A_115 : i32
        %parallel_loop3A_117 = arith.constant 8 : i32
        %parallel_loop3A_118 = arith.index_cast %parallel_loop3A_117 : i32 to index
        %parallel_loop3A_119 = arith.index_cast %parallel_loop3A_116 : i32 to index
        %parallel_loop3A_120 = tpu.vector_load %arg6[%parallel_loop3A_118, %parallel_loop3A_119] {strides = array<i32>} : memref<10x2048xf32, #tpu.memory_space<vmem>>, vector<16xf32>,
        %parallel_loop3A_121 = arith.constant 16 : i32
        %parallel_loop3A_122 = arith.muli %parallel_loop3A_66, %parallel_loop3A_121 : i32
        %parallel_loop3A_123 = arith.constant 9 : i32
        %parallel_loop3A_124 = arith.index_cast %parallel_loop3A_123 : i32 to index
        %parallel_loop3A_125 = arith.index_cast %parallel_loop3A_122 : i32 to index
        %parallel_loop3A_126 = tpu.vector_load %arg6[%parallel_loop3A_124, %parallel_loop3A_125] {strides = array<i32>} : memref<10x2048xf32, #tpu.memory_space<vmem>>, vector<16xf32>,
        %parallel_loop3A_127 = arith.maximumf %parallel_loop3A_72, %parallel_loop3A_78 : vector<16xf32>
        %parallel_loop3A_128 = arith.maximumf %parallel_loop3A_127, %parallel_loop3A_84 : vector<16xf32>
        %parallel_loop3A_129 = arith.maximumf %parallel_loop3A_128, %parallel_loop3A_90 : vector<16xf32>
        %parallel_loop3A_130 = arith.maximumf %parallel_loop3A_129, %parallel_loop3A_96 : vector<16xf32>
        %parallel_loop3A_131 = arith.maximumf %parallel_loop3A_130, %parallel_loop3A_102 : vector<16xf32>
        %parallel_loop3A_132 = arith.maximumf %parallel_loop3A_131, %parallel_loop3A_108 : vector<16xf32>
        %parallel_loop3A_133 = arith.maximumf %parallel_loop3A_132, %parallel_loop3A_114 : vector<16xf32>
        %parallel_loop3A_134 = arith.maximumf %parallel_loop3A_133, %parallel_loop3A_120 : vector<16xf32>
        %parallel_loop3A_135 = arith.maximumf %parallel_loop3A_134, %parallel_loop3A_126 : vector<16xf32>
        %parallel_loop3A_136 = math.exp %parallel_loop3A_72 : vector<16xf32>
        %parallel_loop3A_137 = math.exp %parallel_loop3A_78 : vector<16xf32>
        %parallel_loop3A_138 = math.exp %parallel_loop3A_84 : vector<16xf32>
        %parallel_loop3A_139 = math.exp %parallel_loop3A_90 : vector<16xf32>
        %parallel_loop3A_140 = math.exp %parallel_loop3A_96 : vector<16xf32>
        %parallel_loop3A_141 = math.exp %parallel_loop3A_102 : vector<16xf32>
        %parallel_loop3A_142 = math.exp %parallel_loop3A_108 : vector<16xf32>
        %parallel_loop3A_143 = math.exp %parallel_loop3A_114 : vector<16xf32>
        %parallel_loop3A_144 = math.exp %parallel_loop3A_120 : vector<16xf32>
        %parallel_loop3A_145 = math.exp %parallel_loop3A_126 : vector<16xf32>
        %parallel_loop3A_146 = arith.addf %parallel_loop3A_136, %parallel_loop3A_137 : vector<16xf32>
        %parallel_loop3A_147 = arith.addf %parallel_loop3A_146, %parallel_loop3A_138 : vector<16xf32>
        %parallel_loop3A_148 = arith.addf %parallel_loop3A_147, %parallel_loop3A_139 : vector<16xf32>
        %parallel_loop3A_149 = arith.addf %parallel_loop3A_148, %parallel_loop3A_140 : vector<16xf32>
        %parallel_loop3A_150 = arith.addf %parallel_loop3A_149, %parallel_loop3A_141 : vector<16xf32>
        %parallel_loop3A_151 = arith.addf %parallel_loop3A_150, %parallel_loop3A_142 : vector<16xf32>
        %parallel_loop3A_152 = arith.addf %parallel_loop3A_151, %parallel_loop3A_143 : vector<16xf32>
        %parallel_loop3A_153 = arith.addf %parallel_loop3A_152, %parallel_loop3A_144 : vector<16xf32>
        %parallel_loop3A_154 = arith.addf %parallel_loop3A_153, %parallel_loop3A_145 : vector<16xf32>
        %parallel_loop3A_155 = math.exp %parallel_loop3A_135 : vector<16xf32>
        %parallel_loop3A_156 = arith.divf %parallel_loop3A_155, %parallel_loop3A_154 : vector<16xf32>
        %parallel_loop3A_157 = arith.constant 16 : i32
        %parallel_loop3A_158 = arith.muli %parallel_loop3A_66, %parallel_loop3A_157 : i32
        %parallel_loop3A_159 = arith.index_cast %parallel_loop3A_158 : i32 to index
        %parallel_loop3A_160 = tpu.vector_load %arg8[%parallel_loop3A_159] {strides = array<i32>} : memref<2048xi32, #tpu.memory_space<vmem>>, vector<16xi32>,
        %parallel_loop3A_161 = arith.constant 16 : i32
        %parallel_loop3A_162 = arith.muli %parallel_loop3A_66, %parallel_loop3A_161 : i32
        %parallel_loop3A_163 = vector.broadcast %parallel_loop3A_162 : i32 to vector<16xi32>
        %parallel_loop3A_164 = arith.addi %parallel_loop3A_163, %iota3A : vector<16xi32>
        %parallel_loop3A_165 = tpu.vector_load_idx %arg6[%parallel_loop3A_160, %parallel_loop3A_164] : memref<10x2048xf32, #tpu.memory_space<vmem>>[vector<16xi32>, vector<16xi32>], vector<16xf32>,
        %parallel_loop3A_166 = arith.cmpf oeq, %parallel_loop3A_165, %parallel_loop3A_135 : vector<16xf32>
        %parallel_loop3A_167 = arith.constant 1.000000e+00 : f32
        %parallel_loop3A_168 = arith.constant 0.000000e+00 : f32
        %parallel_loop3A_169 = vector.broadcast %parallel_loop3A_167 : f32 to vector<16xf32>
        %parallel_loop3A_170 = vector.broadcast %parallel_loop3A_168 : f32 to vector<16xf32>
        %parallel_loop3A_171 = arith.select %parallel_loop3A_166, %parallel_loop3A_169, %parallel_loop3A_170 : vector<16xi1>, vector<16xf32>
        %parallel_loop3A_172 = arith.constant 6.000000e+01 : f32
        %parallel_loop3A_173 = vector.broadcast %parallel_loop3A_172 : f32 to vector<16xf32>
        %parallel_loop3A_174 = arith.mulf %parallel_loop3A_156, %parallel_loop3A_173 : vector<16xf32>
        %parallel_loop3A_175 = arith.fptosi %parallel_loop3A_174 : vector<16xf32> to vector<16xi32>
        %parallel_loop3A_176 = arith.constant 59 : i32
        %parallel_loop3A_177 = vector.broadcast %parallel_loop3A_176 : i32 to vector<16xi32>
        %parallel_loop3A_178 = arith.minsi %parallel_loop3A_175, %parallel_loop3A_177 : vector<16xi32>
        tpu.vector_store_idx %arg9[%parallel_loop3A_178, %iota3A], %broadcast_in_dim3A_1 {add = true} : memref<180x128xf32, #tpu.memory_space<vmem>>[vector<16xi32>, vector<16xi32>], vector<16xf32>,
        %parallel_loop3A_179 = arith.constant 60 : i32
        %parallel_loop3A_180 = vector.broadcast %parallel_loop3A_179 : i32 to vector<16xi32>
        %parallel_loop3A_181 = arith.addi %parallel_loop3A_178, %parallel_loop3A_180 : vector<16xi32>
        tpu.vector_store_idx %arg9[%parallel_loop3A_181, %iota3A], %parallel_loop3A_171 {add = true} : memref<180x128xf32, #tpu.memory_space<vmem>>[vector<16xi32>, vector<16xi32>], vector<16xf32>,
        %parallel_loop3A_182 = arith.constant 120 : i32
        %parallel_loop3A_183 = vector.broadcast %parallel_loop3A_182 : i32 to vector<16xi32>
        %parallel_loop3A_184 = arith.addi %parallel_loop3A_178, %parallel_loop3A_183 : vector<16xi32>
        tpu.vector_store_idx %arg9[%parallel_loop3A_184, %iota3A], %parallel_loop3A_156 {add = true} : memref<180x128xf32, #tpu.memory_space<vmem>>[vector<16xi32>, vector<16xi32>], vector<16xf32>,
      } {sc.loop_unroll_factor = 4 : i64, sc.parallel_access}
    }
    %scan3A_21 = arith.constant 32 : i32
    %mul3A_22 = arith.constant 128 : i32
    %mul3A_23 = arith.muli %add3A, %mul3A_22 : i32
    "tpu.region"() ({
      %run_scoped3A = tpu.sem_alloc : memref<!tpu.dma_semaphore, #tpu.memory_space<semaphore_mem>>
      %dma_start3A_24 = arith.constant 0 : i32
      %dma_start3A_25 = tpu.memref_slice %arg4[%dma_start3A_24, %mul3A_23] : memref<180x4096xf32, #tpu.memory_space<hbm>> -> memref<180x128xf32, #tpu.memory_space<hbm>>
      %dma_start3A_26 = arith.constant 0 : i32
      %dma_start3A_27 = tpu.memref_slice %arg4[%dma_start3A_26, %mul3A_23] : memref<180x4096xf32, #tpu.memory_space<hbm>> -> memref<180x128xf32, #tpu.memory_space<hbm>>
      tpu.enqueue_dma source(%arg9 : memref<180x128xf32, #tpu.memory_space<vmem>>) target(%dma_start3A_27 : memref<180x128xf32, #tpu.memory_space<hbm>>) target_semaphore(%run_scoped3A : memref<!tpu.dma_semaphore, #tpu.memory_space<semaphore_mem>>)
      %dma_wait3A = arith.constant 0 : i32
      %dma_wait3A_28 = tpu.memref_slice %arg4[%dma_wait3A, %mul3A_23] : memref<180x4096xf32, #tpu.memory_space<hbm>> -> memref<180x128xf32, #tpu.memory_space<hbm>>
      %dma_wait3A_29 = arith.constant 0 : i32
      %dma_wait3A_30 = tpu.memref_slice %arg4[%dma_wait3A_29, %mul3A_23] : memref<180x4096xf32, #tpu.memory_space<hbm>> -> memref<180x128xf32, #tpu.memory_space<hbm>>
      tpu.wait_dma2 semaphore(%run_scoped3A : memref<!tpu.dma_semaphore, #tpu.memory_space<semaphore_mem>>) src(%arg9 : memref<180x128xf32, #tpu.memory_space<vmem>>) dst(%dma_wait3A_30 : memref<180x128xf32, #tpu.memory_space<hbm>>)
      tpu.yield
    }) : () -> ()
    return
  }
}

module attributes {stable_mosaic.version = 14 : i64} {
  func.func @_tc_body(%arg0: memref<180x4096xf32, #tpu.memory_space<vmem>>, %arg1: memref<135x180xf32, #tpu.memory_space<vmem>>, %arg2: memref<1x1xf32, #tpu.memory_space<vmem>>) attributes {dimension_semantics = [], scalar_prefetch = 0 : i64, scratch_operands = 0 : i64, tpu.core_type = #tpu.core_type<tc>} {
    %get3A = arith.constant 0 : index
    %get3A_0 = arith.constant 0 : index
    %get3A_1 = vector.load %arg0[%get3A, %get3A_0] : memref<180x4096xf32, #tpu.memory_space<vmem>>, vector<180x4096xf32>
    %reduce_sum3A = arith.constant dense<0.000000e+00> : vector<180xf32>
    %reduce_sum3A_2 = vector.multi_reduction <add>, %get3A_1, %reduce_sum3A [1] : vector<180x4096xf32> to vector<180xf32>
    %broadcast_in_dim3A = vector.shape_cast %reduce_sum3A_2 : vector<180xf32> to vector<180x1xf32>
    %get3A_3 = arith.constant 0 : index
    %get3A_4 = arith.constant 0 : index
    %get3A_5 = vector.load %arg1[%get3A_3, %get3A_4] : memref<135x180xf32, #tpu.memory_space<vmem>>, vector<135x180xf32>
    %dot_general3A = arith.constant dense<0.000000e+00> : vector<135x1xf32>
    %dot_general3A_6 = tpu.matmul %get3A_5, %broadcast_in_dim3A, %dot_general3A {dimension_numbers = #tpu.dot_dimension_numbers<[1], [0], [0], [1], [0, 0, 1, 1], [], []>, transpose_lhs_hint = false} : vector<135x180xf32>, vector<180x1xf32>, vector<135x1xf32> -> vector<135x1xf32>
    %slice3A = vector.extract_strided_slice %dot_general3A_6 {offsets = [0, 0], sizes = [45, 1], strides = [1, 1]} : vector<135x1xf32> to vector<45x1xf32>
    %slice3A_7 = vector.extract_strided_slice %dot_general3A_6 {offsets = [45, 0], sizes = [45, 1], strides = [1, 1]} : vector<135x1xf32> to vector<45x1xf32>
    %slice3A_8 = vector.extract_strided_slice %dot_general3A_6 {offsets = [90, 0], sizes = [45, 1], strides = [1, 1]} : vector<135x1xf32> to vector<45x1xf32>
    %max3A = arith.constant 1.000000e+00 : f32
    %max3A_9 = vector.broadcast %max3A : f32 to vector<45x1xf32>
    %max3A_10 = arith.maximumf %slice3A, %max3A_9 : vector<45x1xf32>
    %div3A = arith.divf %slice3A_7, %max3A_10 : vector<45x1xf32>
    %div3A_11 = arith.divf %slice3A_8, %max3A_10 : vector<45x1xf32>
    %gt3A = arith.constant 0.000000e+00 : f32
    %gt3A_12 = vector.broadcast %gt3A : f32 to vector<45x1xf32>
    %gt3A_13 = arith.cmpf ogt, %slice3A, %gt3A_12 : vector<45x1xf32>
    %sub3A = arith.subf %div3A_11, %div3A : vector<45x1xf32>
    %integer_pow3A = arith.mulf %sub3A, %sub3A : vector<45x1xf32>
    %mul3A = arith.mulf %integer_pow3A, %slice3A : vector<45x1xf32>
    %jit3A = arith.constant 0.000000e+00 : f32
    %broadcast_in_dim3A_14 = vector.broadcast %jit3A : f32 to vector<45x1xf32>
    %select_n3A = arith.select %gt3A_13, %mul3A, %broadcast_in_dim3A_14 : vector<45x1xi1>, vector<45x1xf32>
    %reduce_sum3A_15 = vector.shape_cast %select_n3A : vector<45x1xf32> to vector<1x45x1xf32>
    %reduce_sum3A_16 = arith.constant dense<0.000000e+00> : vector<1xf32>
    %reduce_sum3A_17 = vector.multi_reduction <add>, %reduce_sum3A_15, %reduce_sum3A_16 [1, 2] : vector<1x45x1xf32> to vector<1xf32>
    %reduce_sum3A_18 = vector.shape_cast %reduce_sum3A_17 : vector<1xf32> to vector<1x1x1xf32>
    %reduce_sum3A_19 = vector.extract %reduce_sum3A_18[0, 0, 0] : f32 from vector<1x1x1xf32>
    %reshape3A = vector.broadcast %reduce_sum3A_19 : f32 to vector<1x1xf32>
    %mul3A_20 = arith.constant 0.333333343 : f32
    %mul3A_21 = vector.broadcast %mul3A_20 : f32 to vector<1x1xf32>
    %mul3A_22 = arith.mulf %reshape3A, %mul3A_21 : vector<1x1xf32>
    %swap3A = arith.constant 0 : index
    %swap3A_23 = arith.constant 0 : index
    %swap3A_24 = vector.load %arg2[%swap3A, %swap3A_23] : memref<1x1xf32, #tpu.memory_space<vmem>>, vector<1x1xf32>
    tpu.vector_store %arg2[%swap3A, %swap3A_23], %mul3A_22 {strides = array<i32>} : memref<1x1xf32, #tpu.memory_space<vmem>>, vector<1x1xf32>,
    return
  }
}

</mosaic_0001>

<sc_bundles>
// kernel: kernel.4.cloned.1.call-start
scs
__scs_entry_jumppad:
0x0: {  	(pc) =	sbr.rel $0x88, $3  }
0x1: {  	(tag) =	ssettag $0x0;
	lr =	simm.s32 $0x1  }
0x2: {  	[smem:$0x3F9F] =	sst lr;
	_ =	strace $0xD0000000  }
0x3: {  	_ = 	snop  }
0x4: {  	_ = 	snop  }
0x5: {  	_ = 	snop  }
0x6: {  	_ = 	snop  }
0x7: {  	_ = 	snop  }
__scs_overlays_trampoline_lowered:
0x8: {  	[smem:$0x3FAE] =	sst s0  }
0x9: {  	[smem:$0x3FAF] =	sst s1  }
0xa: {  	[smem:$0x3FB0] =	sst s2  }
0xb: {  	[smem:$0x3FB1] =	sst s3  }
0xc: {  	[smem:$0x3FB2] =	sst s4  }
0xd: {  	[smem:$0x3FB3] =	sst s5  }
0xe: {  	[smem:$0x3FB4] =	sst s6  }
0xf: {  	[smem:$0x3FB5] =	sst s7  }
0x10: {  	[smem:$0x3FB6] =	sst s8  }
0x11: {  	[smem:$0x3FB7] =	sst s9;
	s0 =	simm.s32 @!p0 $0x0  }
0x12: {  	s1 =	sld [smem:$0x3F9D];
	s0 =	simm.s32 @p0 $0x1  }
0x13: {  	[smem:$0x3FB8] =	sst s0;
	s0 =	simm.s32 @!p1 $0x0  }
0x14: {  	s2 =	sld [smem:$0x3F9C];
	s0 =	simm.s32 @p1 $0x1  }
0x15: {  	[smem:$0x3FB9] =	sst s0;
	s0 =	simm.s32 @!p2 $0x0  }
0x16: {  	s3 =	sld [smem:$0x3FDB];
	s0 =	simm.s32 @p2 $0x1  }
0x17: {  	s4 =	simm.s32 $0x1BF5;
	[smem:$0x3FBB] =	sst s0  }
0x18: {  	s0 =	sld [smem:$0x3F9E];
	_ =	swait.ge [sflag:s4], $0x0  }
0x19: {  	s7 =	sld [smem:$0x3F9F]  }
0x1a: {  	s8 =	sadd.s32 $0xFFFFE003, lr  }
0x1b: {  	s9 =	sadd.s32 $0xFFFFFEF7, lr;
	s5 =	simm.s32 $0xFFFFFFFF;
	p2 =	slt.u32 s8, $0xFFFFF086  }
0x1c: {  	p1 =	slt.u32 s9, $0xF7A;
	s5 =	simm.s32 @!p2 $0x0  }
0x1d: {  	s5 =	simm.s32 @p1 $0x1;
	p0 =	seq.s32 s7, s2  }
0x1e: {  	s7 =	smul.u32 @!p0 $0xF7A, s2;
	p2 =	seq.s32 @!p0 s5, $0x0  }
0x1f: {  	s9 =	smul.u32 $0xF7A, s1;
	s8 =	simm.s32 @!p0 $0x1BF5;
	p2 =	por !p2, p0  }
0x20: {  	[sflag:s8] =	ssyncset.s32 @!p0 $0xFFFFF086;
	s6 =	sadd.s32 @!p0 s3, s7;
	s7 =	simm.s32 @!p0 $0x108  }
0x21: {  	s3 =	sadd.s32 s3, s9;
	s6 =	sadd.s32 @!p0 $0x88, s6;
	s7 =	simm.s32 @p2 $0x1082  }
0x22: {  	[simem:s7], [sflag:s8] =	dma.local @!p0 [hbm:s6], $0xF7A  }
0x23: {  	s9 =	sor.u32 $0xD0000000, s2;
	s6 =	simm.s32 $0x108;
	_ =	swait.ge @!p0 [sflag:s8], $0x0  }
0x24: {  	s3 =	sadd.s32 $0x88, s3;
	s6 =	simm.s32 @!p1 $0x1082;
	[sflag:s4] =	ssyncset.s32 $0xFFFFF086  }
0x25: {  	[simem:s6], [sflag:s4] =	dma.local [hbm:s3], $0xF7A  }
0x26: {  	[smem:$0x3F9F] =	sst s1;
	(tag) =	ssettag s2;
	_ =	strace s9  }
0x27: {  	s1 =	sld [smem:$0x3FAF]  }
0x28: {  	s2 =	sld [smem:$0x3FB0]  }
0x29: {  	s4 =	sld [smem:$0x3FB2]  }
0x2a: {  	p0 =	seq.s32 s5, $0x0;
	s5 =	sld [smem:$0x3FB3]  }
0x2b: {  	s6 =	sld [smem:$0x3FB4]  }
0x2c: {  	s7 =	sld [smem:$0x3FB5]  }
0x2d: {  	s3 =	simm.s32 $0x108;
	s8 =	sld [smem:$0x3FB6]  }
0x2e: {  	s3 =	simm.s32 @!p0 $0x1082;
	s9 =	sld [smem:$0x3FB7]  }
0x2f: {  	lr =	sadd.s32 s0, s3;
	s0 =	sld [smem:$0x3FAE]  }
0x30: {  	s3 =	sld [smem:$0x3FB1]  }
0x31: {  	[smem:$0x3FBA] =	sst s10  }
0x32: {  	s10 =	sld [smem:$0x3FB8];
	_ =	sdelay $0x3  }
0x33: {  	p0 =	seq.s32 s10, $0x1;
	s10 =	sld [smem:$0x3FBA];
	_ =	sdelay $0x3  }
0x34: {  	[smem:$0x3FBA] =	sst s10  }
0x35: {  	s10 =	sld [smem:$0x3FB9];
	_ =	sdelay $0x3  }
0x36: {  	p1 =	seq.s32 s10, $0x1;
	s10 =	sld [smem:$0x3FBA];
	_ =	sdelay $0x3  }
0x37: {  	[smem:$0x3FBA] =	sst s10  }
0x38: {  	s10 =	sld [smem:$0x3FBB]  }
0x39: {  	_ = 	snop;
	(pc) =	sbr.ind lr, $3  }
0x3a: {  	_ = 	snop  }
0x3b: {  	_ = 	snop  }
0x3c: {  	p2 =	seq.s32 s10, $0x1;
	s10 =	sld [smem:$0x3FBA]  }
0x3d: {  	_ =	shalt  }
0x3e: {  	_ =	shalt  }
0x3f: {  	_ =	shalt  }
0x40: {  	_ =	shalt  }
0x41: {  	_ =	shalt  }
0x42: {  	_ =	shalt  }
0x43: {  	_ =	shalt  }
0x44: {  	_ =	shalt  }
0x45: {  	_ =	shalt  }
0x46: {  	_ =	shalt  }
0x47: {  	_ =	shalt  }
0x48: {  	_ =	shalt  }
0x49: {  	_ =	shalt  }
0x4a: {  	_ =	shalt  }
0x4b: {  	_ =	shalt  }
0x4c: {  	_ =	shalt  }
0x4d: {  	_ =	shalt  }
0x4e: {  	_ =	shalt  }
0x4f: {  	_ =	shalt  }
0x50: {  	_ =	shalt  }
0x51: {  	_ =	shalt  }
0x52: {  	_ =	shalt  }
0x53: {  	_ =	shalt  }
0x54: {  	_ =	shalt  }
0x55: {  	_ =	shalt  }
0x56: {  	_ =	shalt  }
0x57: {  	_ =	shalt  }
0x58: {  	_ =	shalt  }
0x59: {  	_ =	shalt  }
0x5a: {  	_ =	shalt  }
0x5b: {  	_ =	shalt  }
0x5c: {  	_ =	shalt  }
0x5d: {  	_ =	shalt  }
0x5e: {  	_ =	shalt  }
0x5f: {  	_ =	shalt  }
0x60: {  	_ =	shalt  }
0x61: {  	_ =	shalt  }
0x62: {  	_ =	shalt  }
0x63: {  	_ =	shalt  }
0x64: {  	_ =	shalt  }
0x65: {  	_ =	shalt  }
0x66: {  	_ =	shalt  }
0x67: {  	_ =	shalt  }
0x68: {  	_ =	shalt  }
0x69: {  	_ =	shalt  }
0x6a: {  	_ =	shalt  }
0x6b: {  	_ =	shalt  }
0x6c: {  	_ =	shalt  }
0x6d: {  	_ =	shalt  }
0x6e: {  	_ =	shalt  }
0x6f: {  	_ =	shalt  }
0x70: {  	_ =	shalt  }
0x71: {  	_ =	shalt  }
0x72: {  	_ =	shalt  }
0x73: {  	_ =	shalt  }
0x74: {  	_ =	shalt  }
0x75: {  	_ =	shalt  }
0x76: {  	_ =	shalt  }
0x77: {  	_ =	shalt  }
0x78: {  	_ =	shalt  }
0x79: {  	_ =	shalt  }
0x7a: {  	_ =	shalt  }
0x7b: {  	_ =	shalt  }
0x7c: {  	_ =	shalt  }
0x7d: {  	_ =	shalt  }
0x7e: {  	_ =	shalt  }
0x7f: {  	_ =	shalt  }
0x80: {  	_ =	shalt  }
0x81: {  	_ =	shalt  }
0x82: {  	_ =	shalt  }
0x83: {  	_ =	shalt  }
0x84: {  	_ =	shalt  }
0x85: {  	_ =	shalt  }
0x86: {  	_ =	shalt  }
0x87: {  	_ =	shalt  }
.Lfunc_end0:
.L_simem_size_0:
called_computation_lowered:
.L_overlay_start_0:
0x88: {  	s2 =	sld [smem:$0x3FD9]  }
0x89: {  	s3 =	sld [smem:$0x3FFE];
	_ =	sdelay $0x1  }
0x8a: {  	s1 =	srdreg.scid  }
0x8b: {  	s0 =	sand.u32 $0x1, s1  }
0x8c: {  	s17 =	sshll.u32 s0, $0xA;
	s2 =	sadd.s32 s3, s2  }
0x8d: {  	s2 =	sadd.s32 s2, s17  }
0x8e: {  	[smem:$0x3FC6] =	sst s2  }
0x8f: {  	_ = 	snop  }
0x90: {  	s2 =	sld [smem:$0x3FC9]  }
0x91: {  	s18 =	sld [smem:$0x3FC8];
	(tm) =	ssettm $0x1  }
0x92: {  	s4 =	sld [smem:$0x3FFB];
	_ =	sdelay $0x3  }
0x93: {  	_ =	strace s4  }
0x94: {  	s4 =	sld [smem:$0x3FFC];
	_ =	sdelay $0x3  }
0x95: {  	_ =	strace s4  }
0x96: {  	s4 =	sld [smem:$0x3FFD];
	_ =	sdelay $0x3  }
0x97: {  	_ =	strace s4  }
0x98: {  	_ =	strace $0x8FFFFFFF  }
0x99: {  	s19 =	sld [smem:$0x3FDB];
	_ =	sdelay $0x1  }
0x9a: {  	s5 =	simm.s32 $_scs_section_size  }
0x9b: {  	s6 =	simm.s32 $_size__tile_overlayer_lowered;
	s7 =	simm.s32 $_tile_overlayer_lowered  }
0x9c: {  	s22 =	simm.s32 $0x1BFF;
	s21 =	sshll.u32 s7, $0x1;
	s4 =	sadd.s32 s5, s19  }
0x9d: {  	s8 =	simm.s32 $0x0;
	s20 =	sshll.u32 s6, $0x1;
	s6 =	sadd.s32 s21, s4  }
0x9e: {  	[timem:s8], [sflag:s22] =	dma.local [hbm:s6], s20  }
0x9f: {  	_ =	swait.ge [sflag:s22], s20  }
0xa0: {  	s5 =	ssub.s32 $0x0, s20;
	[sflag:s22] =	ssyncset.done $0x0  }
0xa1: {  	[sflag:s22] =	ssyncadd.s32 s5;
	_ =	sdelay $0x1  }
0xa2: {  	s23 =	simm.s32 $0x1B8B  }
0xa3: {  	_ =	swait.ge [sflag:s23], $0x1  }
0xa4: {  	[sflag:s23] =	ssyncset.done $0x0  }
0xa5: {  	s25 =	simm.s32 $0x1B8E;
	s24 =	sld [smem:$0x3FFE];
	[sflag:s23] =	ssyncadd.s32 $0xFFFFFFFF  }
0xa6: {  	s26 =	simm.s32 $execute0_lowered;
	[smem:$0x3FD2] =	sst s25  }
0xa7: {  	s6 =	sshll.u32 s26, $0x1;
	_ =	strace $0x80000046;
	[dreg:$0x1] =	wrdreg $0xFFFFFFFF  }
0xa8: {  	s28 =	simm.s32 $_size_execute0_lowered;
	s4 =	sadd.s32 s4, s6;
	[dreg:$0x0] =	wrdreg $0x0  }
0xa9: {  	s6 =	sshll.u32 s28, $0x1;
	[dreg:$0x2] =	wrdreg s4  }
0xaa: {  	[dreg:$0x3] =	wrdreg s6  }
0xab: {  	[dreg:$0x4] =	wrdreg $0xC0  }
0xac: {  	_ =	task [dreg:s8], $0x5FFFF  }
0xad: {  	[dreg:$0x1] =	wrdreg $0xFFFFFFFF  }
0xae: {  	[dreg:$0x0] =	wrdreg $0x60  }
0xaf: {  	[dreg:$0x2] =	wrdreg s2  }
0xb0: {  	[dreg:$0x3] =	wrdreg s18  }
0xb1: {  	[dreg:$0x4] =	wrdreg s24  }
0xb2: {  	[dreg:$0x5] =	wrdreg $0x9  }
0xb3: {  	_ =	task.clear_ibuf [dreg:s8], $0x6FFFF;
	_ =	strace $0x90000046  }
0xb4: {  	s29 =	simm.s32 $0x9;
	_ =	strace $0x80000048  }
0xb5: {  	_ =	swait.ge [sflag:s29], $0x1  }
0xb6: {  	[sflag:s29] =	ssyncadd.s32 $0xFFFFFFFF  }
0xb7: {  	_ =	strace $0x90000048  }
0xb8: {  	_ =	sfence  }
0xb9: {  	s30 =	sld [smem:$0x0];
	_ =	sdelay $0x2  }
0xba: {  	s31 =	sshll.u32 s1, $0xD;
	s1 =	sshrl.u32 s1, $0x2  }
0xbb: {  	s3 =	sand.u32 $0x4000, s31;
	s1 =	sadd.s32 s1, s30  }
0xbc: {  	s0 =	sor.u32 s3, s0;
	s1 =	sshll.u32 s1, $0x11  }
0xbd: {  	s0 =	sor.u32 s1, s0  }
0xbe: {  	s0 =	sadd.s32 $0x8F2B, s0  }
0xbf: {  	[sflag:s0] =	ssyncadd.remote.s32 $0x1  }
0xc0: {  	_ =	sfence.sel $0xFFFF  }
0xc1: {  	[dreg:$0x0] =	wrdreg $0xFFFFFFFF;
	(pc) =	sbr.abs _section_cstart, $3  }
0xc2: {  	[dreg:$0x1] =	wrdreg $0xFFFFFFFF  }
0xc3: {  	_ =	task.clear_ibuf [dreg:s8], $0x2FFFF;
	_ =	strace $0x9FFFFFFF  }
0xc4: {  	(tm) =	ssettm $0x7FFFFFFF  }
0xc5: {  	_ =	shalt  }
tec
execute0_lowered:
.L_overlay_start_1:
0x0: {  	(tag) =	ssettag $0x1  }
0x1: {  	s12 =	rddreg [dreg:$0x0]  }
0x2: {  	s3 =	rddreg [dreg:$0x1];
	s0 =	srdreg.scid  }
0x3: {  	s1 =	stileid.u32;
	s2 =	rddreg [dreg:$0x2]  }
0x4: {  	s4 =	simm.s32 $0x0;
	s14 =	simm.s32 $0x8000;
	s16 =	simm.s32 $0x1  }
0x5: {  	s17 =	simm.s32 $0x3;
	s18 =	simm.s32 $0x11000;
	s19 =	simm.s32 $0x2  }
0x6: {  	s20 =	simm.s32 $0x4;
	s0 =	sand.u32 $0x1, s0;
	s5 =	sshll.u32 s1, $0x1  }
0x7: {  	s25 =	simm.s32 $0x0;
	[smem:$0x7FF] =	sst s4;
	s5 =	sor.u32 s0, s5  }
0x8: {  	_ =	strace $0x80000047;
	s0 =	ssub.s32 $0x2, s0;
	s8 =	sshll.u32 s5, $0x11  }
0x9: {  	s6 =	sshll.u32 s5, $0x7;
	s5 =	sshll.u32 s5, $0xE;
	s28 =	sadd.s32 s12, s8  }
0xa: {  	s26 =	sshrl.u32 s0, $0x1;
	s29 =	sadd.s32 s3, s5;
	[dreg:$0x4] =	wrdreg s28  }
0xb: {  	v56 =	vlaneseq.u32;
	s2 =	sadd.s32 s6, s2;
	s30 =	sor.u32 $0x1000, s8;
	[dreg:$0x5] =	wrdreg s29  }
0xc: {  	v59 =	vor.u32 $0x1E00, v56;
	s0 =	ssub.s32 s0, s26;
	[dreg:$0x6] =	wrdreg s30;
	s31 =	sadd.s32 $0x800, s2  }
0xd: {  	s7 =	smov.u32 s3;
	v58 =	vor.u32 $0x3C00, v56;
	[tilespmem:$0x1FFE0] =	vst v59;
	s0 =	smax.u32 s0, $0x1;
	[dreg:$0x7] =	wrdreg s31  }
0xe: {  	v57 =	vimm.f32 $0.0e+00;
	v0 =	vimm.f32 $1.000000000e+00;
	[tilespmem:$0x1FFF0] =	vst v58;
	s10 =	sor.u32 $0x800, s8;
	s2 =	simm.s32 $0x0;
	[dreg:$0x8] =	wrdreg s0  }
.LBB2_1:
0xf: {  	[dreg:$0x9] =	wrdreg s2;
	s0 =	simm.s32 $0x0;
	s2 =	simm.s32 $0x200  }
.LBB2_2:
0x10: {  	p0 =	sne.s32 s2, $0x16600;
	[tilespmem:s0+$0x11070] =	vst v57  }
0x11: {  	[tilespmem:s0+$0x11000] =	vst v57  }
0x12: {  	[tilespmem:s0+$0x11010] =	vst v57  }
.Ltmp0:
0x13: {  	[tilespmem:s0+$0x11020] =	vst v57;
	(pc) =	sbr.rel @p0 .LBB2_2-.Ltmp0, $4  }
0x14: {  	[tilespmem:s0+$0x11030] =	vst v57  }
0x15: {  	[tilespmem:s0+$0x11040] =	vst v57  }
0x16: {  	[tilespmem:s0+$0x11050] =	vst v57  }
0x17: {  	[tilespmem:s0+$0x11060] =	vst v57;
	s0 =	sshra.s32 s2, $0x2;
	s2 =	sadd.s32 $0x200, s2  }
0x18: {  	[tilespmem:s0+$0x11070] =	vst v57  }
0x19: {  	[tilespmem:s0+$0x11000] =	vst v57  }
0x1a: {  	[tilespmem:s0+$0x11010] =	vst v57  }
0x1b: {  	[tilespmem:s0+$0x11020] =	vst v57  }
0x1c: {  	[tilespmem:s0+$0x11030] =	vst v57  }
0x1d: {  	[tilespmem:s0+$0x11040] =	vst v57  }
0x1e: {  	[tilespmem:s0+$0x11050] =	vst v57  }
0x1f: {  	[tilespmem:s0+$0x11060] =	vst v57;
	s29 =	rddreg [dreg:$0x4];
	s1 =	simm.s32 $0x4000;
	s2 =	simm.s32 $0x2000000  }
0x20: {  	[tilespmem:s25], [sflag:$0x1] =	stream.strided.gather [hbm4b:s29+s1], $0x8000, s2, s1, $0x38;
	[tilespmem:$0x16C00] =	vst v63  }
0x21: {  	s30 =	rddreg [dreg:$0x5];
	s31 =	simm.s32 $0x10000;
	s26 =	simm.s32 $0x0  }
0x22: {  	[tilespmem:s31], [sflag:$0x3] =	stream.linear.gather [hbm4b:s30+s25], $0x800, $0x38;
	[tilespmem:$0x16C00] =	vst v63  }
.LBB2_4:
0x23: {  	s28 =	sshll.u32 s26, $0xC  }
0x24: {  	s1 =	simm.s32 $0x4000;
	s0 =	sor.u32 s10, s28  }
0x25: {  	s5 =	simm.s32 $0x2000000;
	s2 =	sadd.s32 s12, s0;
	s0 =	sshrl.u32 s0, $0x3  }
0x26: {  	[tilespmem:s14], [sflag:$0x2] =	stream.strided.gather [hbm4b:s2+s1], $0x8000, s5, s1, $0x38;
	[tilespmem:$0x16C00] =	vst v63  }
0x27: {  	s22 =	simm.s32 $0x10800;
	s0 =	sadd.s32 s7, s0  }
0x28: {  	[tilespmem:s22], [sflag:$0x4] =	stream.linear.gather [hbm4b:s0+s25], $0x800, $0x38;
	[tilespmem:$0x16C00] =	vst v63  }
0x29: {  	_ =	swait.ge [sflag:s16], $0x8000  }
0x2a: {  	[sflag:s16] =	ssyncset.done $0x0  }
0x2b: {  	[sflag:s16] =	ssyncadd.s32 $0xFFFF8000  }
0x2c: {  	s0 =	simm.s32 $0x30;
	_ =	swait.ge [sflag:s17], $0x800  }
0x2d: {  	s9 =	sand.u32 $0x3C00, s25;
	s8 =	sand.u32 $0x70, s0;
	[sflag:s17] =	ssyncset.done $0x0  }
0x2e: {  	s23 =	simm.s32 $0x10;
	s11 =	sor.u32 s8, s9;
	[sflag:s17] =	ssyncadd.s32 $0xFFFFF800  }
0x2f: {  	s2 =	sand.u32 $0x50, s23;
	v8 =	vld [tilespmem:s11+$0x0]  }
0x30: {  	s6 =	simm.s32 $0x20;
	s22 =	sor.u32 s2, s9;
	v10 =	vld [tilespmem:s11+$0x80]  }
0x31: {  	v5 =	vmov s25;
	s29 =	sand.u32 $0x60, s6;
	v9 =	vld [tilespmem:s22+$0x0]  }
0x32: {  	v6 =	vor.u32 s25, v56;
	v5 =	vshll.u32 v5, $0x3;
	s30 =	sor.u32 $0x4000, s9;
	s24 =	sor.u32 s29, s9;
	v19 =	vld [tilespmem:s11+$0x180]  }
0x33: {  	s3 =	smov.u32 s12;
	v7 =	vmov s23;
	v11 =	vor.u32 s23, v56;
	v13 =	vmov s6;
	s12 =	sor.u32 s8, s30;
	v16 =	vld [tilespmem:s24+$0x0]  }
0x34: {  	v15 =	vor.u32 s6, v56;
	v6 =	vand.u32 $0x4F, v6;
	v7 =	vshll.u32 v7, $0x3;
	v28 =	vld [tilespmem:s12+$0x0]  }
0x35: {  	s21 =	sor.u32 $0x4080, s9;
	v13 =	vshll.u32 v13, $0x3;
	v11 =	vand.u32 $0x5F, v11;
	v15 =	vand.u32 $0x6F, v15;
	v18 =	vld [tilespmem:s11+$0x100]  }
0x36: {  	v7 =	vand.u32 $0x3C00, v7;
	v13 =	vand.u32 $0x3C00, v13;
	s8 =	sor.u32 s8, s21;
	v12 =	vld [tilespmem:s22+$0x80];
	v14 =	vmul.f32 $1.442695020e+00, v8  }
0x37: {  	v1 =	vor.u32 s0, v56;
	v29 =	vld [tilespmem:s8+$0x0];
	v17 =	vmul.f32 $1.442695020e+00, v10;
	v20 =	vmul.f32 $1.442695020e+00, v9  }
0x38: {  	v2 =	vand.u32 $0x7F, v1;
	v21 =	vld [tilespmem:s11+$0x200];
	v24 =	vmul.f32 $1.442695020e+00, v19;
	v25 =	vmul.f32 $1.442695020e+00, v16  }
0x39: {  	s13 =	sand.u32 $0x40, s25;
	v22 =	vld [tilespmem:s24+$0x80];
	v30 =	vmul.f32 $1.442695020e+00, v28;
	v8 =	vmax.f32 v8, v10;
	(erf) = vpow2.f32 v14  }
0x3a: {  	s1 =	sor.u32 s13, s9;
	v23 =	vld [tilespmem:s11+$0x280];
	v14 =	vand.u32 $0x3C00, v5;
	v5 =	vmul.f32 $1.442695020e+00, v18;
	(erf) = vpow2.f32 v17  }
0x3b: {  	s15 =	sor.u32 s13, s30;
	v8 =	vmax.f32 v8, v18;
	v17 =	vmul.f32 $1.442695020e+00, v12;
	(erf) = vpow2.f32 v20;
	v20 =	vld [tilespmem:s1+$0x0]  }
0x3c: {  	v38 =	vld [tilespmem:s15+$0x0];
	v32 =	vmul.f32 $1.442695020e+00, v29;
	v8 =	vmax.f32 v8, v19;
	(erf) = vpow2.f32 v5  }
0x3d: {  	v5 =	vor.u32 v7, v11;
	v11 =	vld [tilespmem:s1+$0x80];
	(erf) = vpow2.f32 v17;
	v17 =	vmul.f32 $1.442695020e+00, v21  }
0x3e: {  	v26 =	vld [tilespmem:s11+$0x300];
	v8 =	vmax.f32 v8, v21;
	(erf) = vpow2.f32 v24;
	v24 =	vmul.f32 $1.442695020e+00, v22  }
0x3f: {  	v7 =	vor.u32 v14, v6;
	v14 =	vld [tilespmem:s22+$0x100];
	(erf) = vpow2.f32 v25;
	v25 =	vmul.f32 $1.442695020e+00, v23  }
0x40: {  	v27 =	vld [tilespmem:s11+$0x380];
	v6 =	vor.u32 v13, v15;
	(erf) = vpow2.f32 v17;
	v13 =	vmul.f32 $1.442695020e+00, v20  }
0x41: {  	v61 =	vmul.f32 $1.442695020e+00, v38;
	v18 =	vld [tilespmem:s1+$0x200];
	v8 =	vmax.f32 v8, v23;
	(erf) = vpow2.f32 v24  }
0x42: {  	(erf) = vpow2.f32 v25;
	v25 =	vmax.f32 v16, v22;
	v16 =	vmul.f32 $1.442695020e+00, v11  }
0x43: {  	v15 =	vmax.f32 v9, v12;
	v12 =	vmul.f32 $1.442695020e+00, v26;
	v9 =	vld [tilespmem:s1+$0x100];
	v8 =	vmax.f32 v8, v26;
	v17 =	vpop (erf)  }
0x44: {  	v24 =	vld [tilespmem:s24+$0x100];
	v11 =	vmax.f32 v20, v11;
	v20 =	vmul.f32 $1.442695020e+00, v14;
	(erf) = vpow2.f32 v13;
	v13 =	vpop (erf)  }
0x45: {  	v22 =	vmul.f32 $1.442695020e+00, v27;
	v13 =	vadd.f32 v13, v17;
	v17 =	vpop (erf);
	(erf) = vpow2.f32 v12  }
0x46: {  	v8 =	vmax.f32 v8, v27;
	v36 =	vmul.f32 $1.442695020e+00, v18;
	v12 =	vld [tilespmem:s22+$0x180];
	(erf) = vpow2.f32 v16;
	v16 =	vpop (erf)  }
0x47: {  	v19 =	vld [tilespmem:s22+$0x280];
	v8 =	vmax.f32 v8, v28;
	v16 =	vadd.f32 v16, v13;
	v31 =	vpop (erf);
	(erf) = vpow2.f32 v22  }
0x48: {  	v42 =	vmul.f32 $1.442695020e+00, v9;
	v13 =	vmax.f32 v15, v14;
	v14 =	vld [tilespmem:s24+$0x180];
	(erf) = vpow2.f32 v20;
	v20 =	vpop (erf)  }
0x49: {  	v9 =	vmax.f32 v11, v9;
	v22 =	vmul.f32 $1.442695020e+00, v24;
	v15 =	vld [tilespmem:s1+$0x180];
	v20 =	vadd.f32 v20, v16;
	v33 =	vpop (erf)  }
0x4a: {  	s23 =	simm.s32 $0x10020;
	v24 =	vmax.f32 v25, v24;
	v25 =	vld [tilespmem:s1+$0x300];
	v41 =	vadd.f32 v31, v17;
	(erf) = vpow2.f32 v30;
	v17 =	vpop (erf)  }
0x4b: {  	v11 =	vld [tilespmem:s23+$0xFFFFFFE0];
	(erf) = vpow2.f32 v22;
	v10 =	vadd.f32 v17, v20;
	v20 =	vmul.f32 $1.442695020e+00, v12  }
0x4c: {  	v46 =	vmul.f32 $1.442695020e+00, v19;
	v16 =	vld [tilespmem:s22+$0x200];
	v34 =	vpop (erf);
	(erf) = vpow2.f32 v32;
	v12 =	vmax.f32 v13, v12  }
0x4d: {  	(erf) = vpow2.f32 v42;
	v22 =	vpop (erf);
	v43 =	vmul.f32 $1.442695020e+00, v14;
	v33 =	vadd.f32 v34, v33  }
0x4e: {  	v17 =	vld [tilespmem:s24+$0x200];
	v10 =	vadd.f32 v22, v10;
	v44 =	vpop (erf);
	v22 =	vmul.f32 $1.442695020e+00, v15;
	(erf) = vpow2.f32 v20  }
0x4f: {  	v50 =	vmul.f32 $1.442695020e+00, v25;
	v13 =	vmax.f32 v24, v14;
	(erf) = vpow2.f32 v43;
	v20 =	vpop (erf)  }
0x50: {  	v9 =	vmax.f32 v9, v15;
	(erf) = vpow2.f32 v22;
	v22 =	vld [tilespmem:s1+$0x280];
	v10 =	vadd.f32 v20, v10;
	v35 =	vpop (erf)  }
0x51: {  	s6 =	sor.u32 s29, s21;
	v9 =	vmax.f32 v9, v18;
	v18 =	vshll.u32 v11, $0xB;
	v23 =	vmul.f32 $1.442695020e+00, v16;
	v20 =	vld [tilespmem:s24+$0x280];
	v21 =	vpop (erf)  }
0x52: {  	v12 =	vmax.f32 v12, v16;
	v32 =	vadd.f32 v35, v44;
	v44 =	vld [tilespmem:s6+$0x0];
	v27 =	vadd.f32 v21, v10  }
0x53: {  	v11 =	vshll.u32 v11, $0x7;
	v12 =	vmax.f32 v12, v19;
	v26 =	vmul.f32 $1.442695020e+00, v17;
	v21 =	vld [tilespmem:s22+$0x300]  }
0x54: {  	v13 =	vmax.f32 v13, v17;
	v45 =	vpop (erf);
	(erf) = vpow2.f32 v23;
	v23 =	vld [tilespmem:s24+$0x300];
	v10 =	vmax.f32 v8, v29  }
0x55: {  	v29 =	vld [tilespmem:s22+$0x380];
	v28 =	vpop (erf);
	(erf) = vpow2.f32 v26;
	v26 =	vmul.f32 $1.442695020e+00, v10;
	v30 =	vadd.f32 v45, v41  }
0x56: {  	v14 =	vld [tilespmem:s23+$0xFFFFFFF0];
	v8 =	vadd.f32 v28, v27;
	(erf) = vpow2.f32 v36;
	v47 =	vmul.f32 $1.442695020e+00, v22;
	v27 =	vpop (erf)  }
0x57: {  	s22 =	sor.u32 s2, s30;
	v9 =	vmax.f32 v9, v22;
	v37 =	vmul.f32 $1.442695020e+00, v20;
	v28 =	vpop (erf);
	(erf) = vpow2.f32 v26;
	v26 =	vld [tilespmem:s1+$0x380]  }
0x58: {  	v13 =	vmax.f32 v13, v20;
	v27 =	vadd.f32 v27, v33;
	v33 =	vld [tilespmem:s22+$0x0];
	v8 =	vadd.f32 v28, v8  }
0x59: {  	v9 =	vmax.f32 v9, v25;
	v1 =	vmul.f32 $1.442695020e+00, v44;
	v48 =	vmul.f32 $1.442695020e+00, v21;
	v28 =	vld [tilespmem:s24+$0x380]  }
0x5a: {  	v49 =	vmul.f32 $1.442695020e+00, v23;
	v52 =	vmul.f32 $1.442695020e+00, v29;
	v12 =	vmax.f32 v12, v21  }
0x5b: {  	v21 =	vshll.u32 v14, $0xB;
	v13 =	vmax.f32 v13, v23;
	s24 =	sor.u32 s29, s30;
	(erf) = vrcp.f32 v8  }
0x5c: {  	v12 =	vmax.f32 v12, v29;
	v41 =	vld [tilespmem:s24+$0x0];
	v8 =	vpop (erf);
	(erf) = vpow2.f32 v46;
	v60 =	vmul.f32 $1.442695020e+00, v26  }
0x5d: {  	s1 =	sor.u32 s13, s21;
	v63 =	vmul.f32 $1.442695020e+00, v33;
	v9 =	vmax.f32 v9, v26;
	v39 =	vpop (erf);
	v8 =	vadd.f32 v8, v32  }
0x5e: {  	v43 =	vld [tilespmem:s1+$0x0];
	v12 =	vmax.f32 v12, v33;
	(erf) = vpow2.f32 v37;
	v54 =	vmul.f32 $1.442695020e+00, v28;
	v51 =	vpop (erf)  }
0x5f: {  	v40 =	vld [tilespmem:s23+$0x10];
	v13 =	vmax.f32 v13, v28;
	v9 =	vmax.f32 v9, v38;
	v53 =	vpop (erf);
	(erf) = vpow2.f32 v47  }
0x60: {  	v30 =	vadd.f32 v39, v30;
	v27 =	vadd.f32 v51, v27;
	v55 =	vpop (erf);
	(erf) = vpow2.f32 v48  }
0x61: {  	v13 =	vmax.f32 v13, v41;
	v39 =	vadd.f32 v53, v8;
	v8 =	vpop (erf);
	(erf) = vpow2.f32 v49  }
0x62: {  	s2 =	sor.u32 s2, s21;
	v62 =	vpop (erf);
	(erf) = vpow2.f32 v50;
	v27 =	vadd.f32 v8, v27;
	v8 =	vmov s0  }
0x63: {  	v26 =	vmax.f32 v9, v43;
	v25 =	vmax.f32 v13, v44;
	v49 =	vld [tilespmem:s2+$0x0];
	(erf) = vpow2.f32 v52  }
0x64: {  	v48 =	vshll.u32 v40, $0xB;
	v40 =	vshll.u32 v40, $0x7;
	v42 =	vpop (erf);
	(erf) = vpow2.f32 v54  }
0x65: {  	s29 =	simm.s32 $0x200;
	s2 =	simm.s32 $0x70;
	v47 =	vshll.u32 v8, $0x3;
	v52 =	vmul.f32 $1.442695020e+00, v41;
	v8 =	vpop (erf);
	(erf) = vpow2.f32 v60  }
0x66: {  	s8 =	sand.u32 $0x3C00, s29;
	v30 =	vadd.f32 v55, v30;
	s22 =	sand.u32 $0x70, s2;
	v60 =	vmul.f32 $1.442695020e+00, v43;
	(erf) = vpow2.f32 v61;
	v53 =	vpop (erf)  }
0x67: {  	v35 =	vand.u32 $0xFFFFC000, v48;
	s12 =	sor.u32 s22, s8;
	v8 =	vmul.f32 v8, v42;
	(erf) = vpow2.f32 v63;
	v55 =	vpop (erf)  }
0x68: {  	s13 =	simm.s32 $0x60;
	v32 =	vadd.f32 v62, v39;
	v28 =	vld [tilespmem:s12+$0x80];
	v62 =	vmul.f32 $1.442695020e+00, v49;
	v61 =	vpop (erf);
	(erf) = vpow2.f32 v52  }
0x69: {  	s31 =	sand.u32 $0x60, s13;
	v37 =	vand.u32 $0x3C00, v47;
	v29 =	vld [tilespmem:s12+$0x100];
	v51 =	vmul.f32 $6.000000000e+01, v8;
	v63 =	vpop (erf);
	(erf) = vpow2.f32 v60  }
0x6a: {  	s30 =	sor.u32 s31, s8;
	v38 =	vld [tilespmem:s12+$0x200];
	v34 =	vor.u32 v37, v2;
	v30 =	vadd.f32 v53, v30;
	v2 =	vpop (erf);
	(erf) = vpow2.f32 v62  }
0x6b: {  	s11 =	simm.s32 $0x50;
	v27 =	vadd.f32 v55, v27;
	v32 =	vadd.f32 v61, v32;
	v61 =	vld [tilespmem:s30+$0x80];
	v54 =	vtrunc.f32 v51;
	v45 =	vpop (erf)  }
0x6c: {  	s0 =	sand.u32 $0x50, s11;
	v15 =	vadd.f32 v63, v30;
	v37 =	vcvt.f32.s32 v54;
	(erf) = vpow2.f32 v1;
	v54 =	vld [tilespmem:s30+$0x0];
	v24 =	vpop (erf)  }
0x6d: {  	v50 =	vand.u32 $0x380, v40;
	s15 =	sor.u32 s0, s8;
	v27 =	vadd.f32 v2, v27;
	v46 =	vadd.f32 v45, v32;
	v32 =	vld [tilespmem:s12+$0x380];
	v47 =	vpop (erf)  }
0x6e: {  	v34 =	vor.u32 v35, v34;
	v15 =	vadd.f32 v24, v15;
	v24 =	vmax.f32 v12, v49;
	v49 =	vld [tilespmem:s15+$0x80];
	v16 =	vpop (erf)  }
0x6f: {  	v34 =	vor.u32 v50, v34;
	v55 =	vmul.f32 $1.442695020e+00, v28;
	v19 =	vadd.f32 v47, v27;
	v27 =	vld [tilespmem:s12+$0x0];
	v17 =	vpop (erf)  }
0x70: {  	v62 =	vmul.f32 $1.442695020e+00, v29;
	v45 =	vmul.f32 $1.442695020e+00, v38;
	v16 =	vadd.f32 v16, v46;
	v20 =	vpop (erf)  }
0x71: {  	vm0 =	vlt.s32 v37, $0x3B;
	v13 =	vmul.f32 $1.442695020e+00, v24;
	v44 =	vmul.f32 $1.442695020e+00, v54;
	v22 =	vpop (erf)  }
0x72: {  	v35 =	vmax.f32 v54, v61;
	v15 =	vadd.f32 v20, v15;
	v20 =	vld [tilespmem:s23+$0x0];
	v16 =	vadd.f32 v17, v16;
	v23 =	vpop (erf)  }
0x73: {  	v47 =	vmul.f32 $1.442695020e+00, v32;
	v19 =	vadd.f32 v22, v19;
	v63 =	vmul.f32 $1.442695020e+00, v49;
	v17 =	vpop (erf)  }
0x74: {  	v52 =	vmul.f32 $1.442695020e+00, v27;
	v27 =	vmax.f32 v27, v28;
	v12 =	vadd.f32 v17, v15  }
0x75: {  	v22 =	vpop (erf);
	v15 =	vadd.f32 v23, v16;
	v16 =	vmul.f32 $1.442695020e+00, v25;
	v23 =	vor.u32 s13, v56  }
0x76: {  	v29 =	vmax.f32 v27, v29;
	v9 =	vadd.f32 v22, v19;
	v23 =	vand.u32 $0x6F, v23  }
0x77: {  	(erf) = vrcp.f32 v12;
	v12 =	vmul.f32 $1.442695020e+00, v26;
	v17 =	vshll.u32 v20, $0xB  }
0x78: {  	(erf) = vrcp.f32 v9;
	v9 =	vand.u32 $0xFFFFC000, v18;
	v18 =	vand.u32 $0xFFFFC000, v21  }
0x79: {  	s1 =	simm.s32 $0x40;
	(erf) = vrcp.f32 v15;
	v15 =	vand.u32 $0xFFFFC000, v17;
	v7 =	vor.u32 v9, v7  }
0x7a: {  	v5 =	vor.u32 v18, v5;
	v9 =	vand.u32 $0x380, v11;
	v17 =	vor.u32 s1, v56  }
0x7b: {  	v22 =	vld [tilespmem:s15+$0x0];
	v18 =	vmov s13;
	(erf) = vpow2.f32 v13;
	v13 =	vshll.u32 v14, $0x7  }
0x7c: {  	v14 =	vshll.u32 v20, $0x7;
	v7 =	vor.u32 v9, v7;
	(erf) = vpow2.f32 v16  }
0x7d: {  	v6 =	vor.u32 v15, v6;
	v18 =	vshll.u32 v18, $0x3;
	(erf) = vpow2.f32 v12;
	v12 =	vld.idx.msk [tilespmem:v34+s4+$0x0], $0xffff  }
0x7e: {  	v17 =	vand.u32 $0x4F, v17;
	v9 =	vand.u32 $0x380, v13;
	v11 =	vand.u32 $0x380, v14;
	v34 =	vld [tilespmem:s12+$0x180]  }
0x7f: {  	v60 =	vand.u32 $0x3C00, v18;
	v5 =	vor.u32 v9, v5;
	v9 =	vnsel vm0, $0x3B, v37  }
0x80: {  	s21 =	sand.u32 $0x40, s1;
	v18 =	vmul.f32 $1.442695020e+00, v22;
	v6 =	vor.u32 v11, v6;
	v15 =	vshll.u32 v9, $0x7  }
0x81: {  	s23 =	sor.u32 s21, s8;
	v22 =	vmax.f32 v22, v49;
	(erf) = vpow2.f32 v52;
	v11 =	vor.u32 v56, v15;
	v19 =	vld.idx.msk [tilespmem:v7+s4+$0x0], $0xffff;
	v13 =	vpop (erf)  }
0x82: {  	v1 =	vld [tilespmem:s23+$0x0];
	v9 =	vadd.s32 v59, v15;
	(erf) = vpow2.f32 v55;
	v14 =	vpop (erf);
	vm10 =	veq.f32 v12, v10  }
0x83: {  	v37 =	vld [tilespmem:s12+$0x280];
	v10 =	vadd.s32 v58, v15;
	v15 =	vor.u32 s11, v56;
	v2 =	vmul.f32 $1.442695020e+00, v34;
	v16 =	vpop (erf)  }
0x84: {  	v20 =	vld.idx.msk [tilespmem:v5+s4+$0x0], $0xffff;
	v29 =	vmax.f32 v29, v34;
	v12 =	vsel vm10, $0x3F800000, v57;
	v53 =	vand.u32 $0x5F, v15;
	v5 =	vpop (erf)  }
0x85: {  	v21 =	vld.idx.msk [tilespmem:v6+s4+$0x0], $0xffff;
	v29 =	vmax.f32 v29, v38;
	v7 =	vmul.f32 v13, v5;
	v5 =	vpop (erf);
	v13 =	vmov s1  }
0x86: {  	v39 =	vld [tilespmem:s12+$0x300];
	vm11 =	veq.f32 v19, v26;
	v19 =	vmul.f32 $1.442695020e+00, v61;
	v6 =	vmul.f32 v14, v5  }
0x87: {  	v5 =	vpop (erf);
	v14 =	vshll.u32 v13, $0x3;
	v13 =	vmov s11;
	(erf) = vpow2.f32 v18  }
0x88: {  	v13 =	vshll.u32 v13, $0x3;
	v5 =	vmul.f32 v16, v5;
	v48 =	vmul.f32 $6.000000000e+01, v7  }
0x89: {  	v51 =	vand.u32 $0x3C00, v14;
	(erf) = vpow2.f32 v62;
	vm1 =	veq.f32 v20, v24  }
0x8a: {  	s24 =	sor.u32 $0x4000, s8;
	v41 =	vld [tilespmem:s30+$0x100];
	v20 =	vmul.f32 $1.442695020e+00, v37;
	vm2 =	veq.f32 v21, v25;
	v21 =	vmul.f32 $1.442695020e+00, v1  }
0x8b: {  	v27 =	vld [tilespmem:s23+$0x200];
	s1 =	sor.u32 s22, s24;
	v25 =	vmul.f32 $1.442695020e+00, v39;
	v37 =	vmax.f32 v29, v37;
	v16 =	vand.u32 $0x3C00, v13  }
0x8c: {  	v33 =	vld [tilespmem:s1+$0x0];
	v50 =	vmul.f32 $6.000000000e+01, v6;
	v18 =	vor.u32 v51, v17;
	(erf) = vpow2.f32 v63  }
0x8d: {  	v17 =	vor.u32 v60, v23;
	v23 =	vld [tilespmem:s23+$0x80];
	v13 =	vmul.f32 $6.000000000e+01, v5;
	(erf) = vpow2.f32 v2  }
0x8e: {  	[tilespmem:v11+s18+$0x0] =	vst.idx.add.f32.msk $0xffff, v0;
	v37 =	vmax.f32 v37, v39;
	v14 =	vtrunc.f32 v48;
	(erf) = vpow2.f32 v44  }
0x8f: {  	v24 =	vld [tilespmem:s15+$0x100];
	v39 =	vmax.f32 v35, v41;
	v15 =	vtrunc.f32 v50;
	(erf) = vpow2.f32 v45  }
0x90: {  	[tilespmem:v9+s18+$0x0] =	vst.idx.add.f32.msk $0xffff, v12;
	s11 =	sor.u32 $0x4080, s8;
	v16 =	vor.u32 v16, v53;
	v14 =	vcvt.f32.s32 v14;
	(erf) = vpow2.f32 v19  }
0x91: {  	s8 =	sor.u32 s22, s11;
	v26 =	vpop (erf);
	v29 =	vld [tilespmem:s30+$0x280];
	v32 =	vmax.f32 v37, v32;
	v50 =	vmul.f32 $1.442695020e+00, v33;
	(erf) = vpow2.f32 v20  }
0x92: {  	v42 =	vld [tilespmem:s8+$0x0];
	v33 =	vmax.f32 v32, v33;
	v46 =	vmul.f32 $1.442695020e+00, v23;
	v20 =	vpop (erf);
	(erf) = vpow2.f32 v21  }
0x93: {  	[tilespmem:v10+s18+$0x0] =	vst.idx.add.f32.msk $0xffff, v8;
	v10 =	vtrunc.f32 v13;
	v26 =	vadd.f32 v20, v26;
	v48 =	vpop (erf);
	(erf) = vpow2.f32 v25  }
0x94: {  	v32 =	vld [tilespmem:s30+$0x300];
	v49 =	vmul.f32 $1.442695020e+00, v24;
	v20 =	vmax.f32 v1, v23;
	(erf) = vpow2.f32 v46;
	v23 =	vpop (erf)  }
0x95: {  	v15 =	vcvt.f32.s32 v15;
	v19 =	vld [tilespmem:s23+$0x100];
	v26 =	vadd.f32 v23, v26;
	v51 =	vpop (erf);
	(erf) = vpow2.f32 v47  }
0x96: {  	v21 =	vld [tilespmem:s15+$0x180];
	v25 =	vmax.f32 v22, v24;
	v24 =	vmul.f32 $1.442695020e+00, v41;
	(erf) = vpow2.f32 v49;
	v52 =	vpop (erf)  }
0x97: {  	v53 =	vmul.f32 $1.442695020e+00, v42;
	v22 =	vld [tilespmem:s23+$0x180];
	v26 =	vadd.f32 v52, v26;
	v44 =	vpop (erf);
	(erf) = vpow2.f32 v50  }
0x98: {  	vm13 =	vlt.s32 v14, $0x3B;
	v42 =	vmax.f32 v33, v42;
	v23 =	vld [tilespmem:s30+$0x180];
	(erf) = vpow2.f32 v24;
	v55 =	vpop (erf)  }
0x99: {  	v46 =	vmul.f32 $1.442695020e+00, v27;
	v28 =	vadd.f32 v55, v26;
	v43 =	vpop (erf);
	(erf) = vpow2.f32 v53  }
0x9a: {  	v37 =	vmul.f32 $1.442695020e+00, v32;
	v54 =	vmul.f32 $1.442695020e+00, v19;
	v19 =	vmax.f32 v20, v19;
	v24 =	vld [tilespmem:s15+$0x200];
	v61 =	vpop (erf)  }
0x9b: {  	v36 =	vadd.f32 v51, v48;
	v48 =	vmul.f32 $1.442695020e+00, v29;
	v26 =	vld [tilespmem:s30+$0x200];
	v30 =	vadd.f32 v61, v28;
	v45 =	vpop (erf)  }
0x9c: {  	v60 =	vmul.f32 $1.442695020e+00, v21;
	v21 =	vmax.f32 v25, v21;
	v63 =	vmul.f32 $1.442695020e+00, v22;
	v1 =	vpop (erf)  }
0x9d: {  	v31 =	vld [tilespmem:s23+$0x280];
	(erf) = vpow2.f32 v54;
	v62 =	vmul.f32 $1.442695020e+00, v23;
	v30 =	vadd.f32 v1, v30;
	v2 =	vpop (erf)  }
0x9e: {  	v19 =	vmax.f32 v19, v22;
	v55 =	vmul.f32 $1.442695020e+00, v42;
	(erf) = vpow2.f32 v60;
	v51 =	vpop (erf)  }
0x9f: {  	(erf) = vpow2.f32 v62;
	v50 =	vmul.f32 $1.442695020e+00, v24;
	v34 =	vadd.f32 v51, v30;
	v53 =	vpop (erf)  }
0xa0: {  	v19 =	vmax.f32 v19, v27;
	v28 =	vld [tilespmem:s15+$0x280];
	(erf) = vpow2.f32 v63;
	v52 =	vmul.f32 $1.442695020e+00, v26;
	v54 =	vpop (erf)  }
0xa1: {  	v33 =	vld [tilespmem:s23+$0x300];
	v23 =	vmax.f32 v39, v23;
	(erf) = vpow2.f32 v50;
	v40 =	vadd.f32 v54, v34;
	v47 =	vpop (erf)  }
0xa2: {  	v19 =	vmax.f32 v19, v31;
	v62 =	vadd.f32 v43, v44;
	v30 =	vld [tilespmem:s15+$0x300];
	(erf) = vpow2.f32 v52;
	v60 =	vpop (erf)  }
0xa3: {  	v44 =	vld [tilespmem:s30+$0x380];
	v63 =	vmul.f32 $1.442695020e+00, v31;
	(erf) = vpow2.f32 v46;
	v40 =	vadd.f32 v60, v40  }
0xa4: {  	v21 =	vmax.f32 v21, v24;
	v1 =	vadd.f32 v2, v45;
	v34 =	vld [tilespmem:s15+$0x380];
	(erf) = vpow2.f32 v55  }
0xa5: {  	v23 =	vmax.f32 v23, v26;
	v61 =	vmul.f32 $1.442695020e+00, v28;
	(erf) = vrcp.f32 v40  }
0xa6: {  	v51 =	vor.u32 s2, v56;
	v23 =	vmax.f32 v23, v29;
	v46 =	vmul.f32 $1.442695020e+00, v33;
	v55 =	vpop (erf)  }
0xa7: {  	v36 =	vadd.f32 v53, v36;
	s15 =	sor.u32 s0, s24;
	v2 =	vmul.f32 $1.442695020e+00, v30;
	v49 =	vpop (erf);
	(erf) = vpow2.f32 v61  }
0xa8: {  	v52 =	vmul.f32 $1.442695020e+00, v44;
	v41 =	vadd.f32 v47, v62;
	v45 =	vld [tilespmem:s15+$0x0];
	v50 =	vpop (erf);
	(erf) = vpow2.f32 v48  }
0xa9: {  	s30 =	simm.s32 $0x10060;
	v62 =	vmov s2;
	v40 =	vld [tilespmem:s23+$0x380];
	v60 =	vmul.f32 $1.442695020e+00, v34;
	v61 =	vpop (erf);
	(erf) = vpow2.f32 v63  }
0xaa: {  	s12 =	sor.u32 s21, s24;
	v43 =	vshll.u32 v62, $0x3;
	v35 =	vadd.f32 v55, v1;
	v1 =	vld [tilespmem:s30+$0x10];
	v63 =	vpop (erf);
	(erf) = vpow2.f32 v2  }
0xab: {  	v47 =	vld [tilespmem:s12+$0x0];
	v43 =	vand.u32 $0x3C00, v43;
	v36 =	vadd.f32 v49, v36;
	v2 =	vpop (erf);
	(erf) = vpow2.f32 v37  }
0xac: {  	s22 =	sor.u32 s31, s24;
	v41 =	vadd.f32 v50, v41;
	v49 =	vadd.f32 v61, v35;
	v50 =	vpop (erf);
	(erf) = vpow2.f32 v46  }
0xad: {  	s24 =	sor.u32 s31, s11;
	v54 =	vmul.f32 $1.442695020e+00, v45;
	v61 =	vand.u32 $0x7F, v51;
	v46 =	vld [tilespmem:s22+$0x0];
	(erf) = vpow2.f32 v60;
	v60 =	vpop (erf)  }
0xae: {  	v55 =	vld [tilespmem:s24+$0x0];
	s23 =	sor.u32 s21, s11;
	v43 =	vor.u32 v43, v61;
	v36 =	vadd.f32 v63, v36;
	v53 =	vmul.f32 $1.442695020e+00, v40;
	v62 =	vpop (erf)  }
0xaf: {  	s0 =	sor.u32 s0, s11;
	v63 =	vshll.u32 v1, $0xB;
	(erf) = vpow2.f32 v52;
	v52 =	vld [tilespmem:s23+$0x0];
	v35 =	vmul.f32 v62, v60  }
0xb0: {  	v38 =	vshll.u32 v1, $0x7;
	v37 =	vmul.f32 $1.442695020e+00, v47;
	(erf) = vpow2.f32 v53;
	v53 =	vld [tilespmem:s0+$0x0]  }
0xb1: {  	v41 =	vadd.f32 v2, v41;
	v51 =	vand.u32 $0xFFFFC000, v63;
	v1 =	vmul.f32 $6.000000000e+01, v35  }
0xb2: {  	v38 =	vand.u32 $0x380, v38;
	(erf) = vpow2.f32 v37;
	v2 =	vmul.f32 $1.442695020e+00, v46  }
0xb3: {  	v39 =	vld [tilespmem:s30+$0xFFFFFFE0];
	v43 =	vor.u32 v51, v43;
	v60 =	vpop (erf);
	(erf) = vpow2.f32 v54;
	v61 =	vtrunc.f32 v1  }
0xb4: {  	v62 =	vpop (erf);
	v36 =	vadd.f32 v60, v36;
	v60 =	vmul.f32 $1.442695020e+00, v55;
	v1 =	vmul.f32 $1.442695020e+00, v52  }
0xb5: {  	v49 =	vadd.f32 v50, v49;
	v63 =	vpop (erf);
	(erf) = vpow2.f32 v2;
	v2 =	vmul.f32 $1.442695020e+00, v53  }
0xb6: {  	v38 =	vor.u32 v38, v43;
	v43 =	vcvt.f32.s32 v61;
	v61 =	vpop (erf);
	(erf) = vpow2.f32 v1  }
0xb7: {  	v21 =	vmax.f32 v21, v28;
	v23 =	vmax.f32 v23, v32;
	v25 =	vpop (erf);
	(erf) = vpow2.f32 v2  }
0xb8: {  	v28 =	vshll.u32 v39, $0xB;
	v54 =	vadd.f32 v63, v49;
	v63 =	vpop (erf);
	(erf) = vpow2.f32 v60  }
0xb9: {  	v19 =	vmax.f32 v19, v33;
	v23 =	vmax.f32 v23, v44;
	v28 =	vand.u32 $0xFFFFC000, v28;
	v49 =	vpop (erf)  }
0xba: {  	v21 =	vmax.f32 v21, v30;
	v18 =	vor.u32 v28, v18;
	v41 =	vadd.f32 v62, v41;
	v24 =	vpop (erf)  }
0xbb: {  	v21 =	vmax.f32 v21, v34;
	v22 =	vadd.f32 v61, v36;
	v48 =	vadd.f32 v63, v54;
	v26 =	vpop (erf)  }
0xbc: {  	v21 =	vmax.f32 v21, v45;
	v19 =	vmax.f32 v19, v40;
	v25 =	vadd.f32 v25, v41;
	v29 =	vpop (erf)  }
0xbd: {  	v62 =	vld.idx.msk [tilespmem:v38+s4+$0x0], $0xffff;
	vm3 =	vlt.s32 v43, $0x3B;
	v22 =	vadd.f32 v49, v22;
	v26 =	vadd.f32 v26, v48;
	v50 =	vpop (erf)  }
0xbe: {  	v19 =	vmax.f32 v19, v47;
	v20 =	vnsel vm3, $0x3B, v43;
	v24 =	vadd.f32 v24, v25;
	v51 =	vpop (erf)  }
0xbf: {  	v20 =	vshll.u32 v20, $0x7;
	v30 =	vadd.f32 v50, v22;
	v26 =	vadd.f32 v29, v26;
	v60 =	vpop (erf)  }
0xc0: {  	v1 =	vld [tilespmem:s30+$0xFFFFFFF0];
	v22 =	vmax.f32 v23, v46;
	v23 =	vmax.f32 v21, v53;
	v24 =	vadd.f32 v51, v24;
	v29 =	vpop (erf)  }
0xc1: {  	v21 =	vmax.f32 v22, v55;
	v22 =	vmax.f32 v19, v52;
	v61 =	vpop (erf);
	v19 =	vadd.f32 v29, v30  }
0xc2: {  	vm12 =	veq.f32 v62, v42;
	v38 =	vor.u32 v56, v20;
	v24 =	vadd.f32 v61, v24  }
0xc3: {  	v2 =	vadd.s32 v59, v20;
	v54 =	vld [tilespmem:s30+$0x0];
	v26 =	vadd.f32 v60, v26;
	(erf) = vrcp.f32 v19  }
0xc4: {  	v20 =	vadd.s32 v58, v20;
	v29 =	vmul.f32 $1.442695020e+00, v23;
	(erf) = vrcp.f32 v24  }
0xc5: {  	v25 =	vshll.u32 v1, $0xB;
	v62 =	vmul.f32 $1.442695020e+00, v21;
	(erf) = vrcp.f32 v26  }
0xc6: {  	v24 =	vand.u32 $0xFFFFC000, v25;
	v25 =	vshll.u32 v39, $0x7;
	(erf) = vpow2.f32 v29  }
0xc7: {  	v11 =	vor.u32 v24, v16;
	v16 =	vand.u32 $0x380, v25;
	(erf) = vpow2.f32 v62  }
0xc8: {  	v19 =	vshll.u32 v54, $0xB;
	v26 =	vshll.u32 v1, $0x7;
	v9 =	vor.u32 v16, v18  }
0xc9: {  	v19 =	vand.u32 $0xFFFFC000, v19;
	v29 =	vshll.u32 v54, $0x7;
	v12 =	vand.u32 $0x380, v26  }
0xca: {  	v17 =	vor.u32 v19, v17;
	v8 =	vand.u32 $0x380, v29;
	v12 =	vor.u32 v12, v11  }
0xcb: {  	v27 =	vsel vm12, $0x3F800000, v57;
	[tilespmem:v38+s18+$0x0] =	vst.idx.add.f32.msk $0xffff, v0;
	v24 =	vcvt.f32.s32 v10;
	v18 =	vor.u32 v8, v17  }
0xcc: {  	vm14 =	vlt.s32 v15, $0x3B;
	[tilespmem:v2+s18+$0x0] =	vst.idx.add.f32.msk $0xffff, v27;
	v63 =	vmul.f32 $1.442695020e+00, v22;
	v16 =	vsel vm2, $0x3F800000, v57;
	v19 =	vpop (erf)  }
0xcd: {  	vm15 =	vlt.s32 v24, $0x3B;
	v10 =	vld.idx.msk [tilespmem:v9+s4+$0x0], $0xffff;
	v9 =	vnsel vm13, $0x3B, v14;
	v14 =	vnsel vm14, $0x3B, v15;
	v13 =	vpop (erf)  }
0xce: {  	[tilespmem:v20+s18+$0x0] =	vst.idx.add.f32.msk $0xffff, v35;
	(erf) = vpow2.f32 v63;
	v8 =	vsel vm11, $0x3F800000, v57;
	v20 =	vnsel vm15, $0x3B, v24;
	v11 =	vpop (erf)  }
0xcf: {  	v17 =	vsel vm1, $0x3F800000, v57;
	v26 =	vshll.u32 v20, $0x7;
	v12 =	vld.idx.msk [tilespmem:v12+s4+$0x0], $0xffff;
	v24 =	vshll.u32 v9, $0x7;
	v15 =	vpop (erf)  }
0xd0: {  	s31 =	simm.s32 $0x4;
	s2 =	simm.s32 $0x80;
	v27 =	vshll.u32 v14, $0x7;
	v20 =	vor.u32 v56, v24;
	v9 =	vmul.f32 v19, v15;
	v15 =	vld.idx.msk [tilespmem:v18+s4+$0x0], $0xffff;
	v14 =	vpop (erf)  }
.LBB2_5:
0xd1: {  	s0 =	sadd.s32 $0x30, s2;
	s29 =	sadd.s32 $0x200, s29  }
0xd2: {  	s8 =	sand.u32 $0x3C00, s29;
	s15 =	sand.u32 $0x70, s0  }
0xd3: {  	s12 =	sor.u32 s15, s8  }
0xd4: {  	v38 =	vld [tilespmem:s12+$0x0]  }
0xd5: {  	v19 =	vmov s2;
	v39 =	vld [tilespmem:s12+$0x80]  }
0xd6: {  	v25 =	vor.u32 s2, v56;
	s5 =	sadd.s32 $0x10, s2;
	v18 =	vmul.f32 v13, v14;
	s6 =	sadd.s32 $0x20, s2;
	v14 =	vshll.u32 v19, $0x3;
	v40 =	vld [tilespmem:s12+$0x100]  }
0xd7: {  	v19 =	vmov s5;
	v28 =	vor.u32 s5, v56;
	v29 =	vmov s6  }
0xd8: {  	v19 =	vshll.u32 v19, $0x3;
	vm0 =	veq.f32 v10, v22;
	v22 =	vmul.f32 $6.000000000e+01, v18  }
0xd9: {  	v30 =	vor.u32 s6, v56;
	v29 =	vshll.u32 v29, $0x3;
	v31 =	vand.u32 $0x3C00, v19;
	v41 =	vld [tilespmem:s12+$0x180]  }
0xda: {  	s5 =	sand.u32 $0x50, s5;
	v42 =	vld [tilespmem:s12+$0x200];
	vm2 =	veq.f32 v15, v21;
	v15 =	vtrunc.f32 v22;
	v46 =	vmul.f32 $1.442695020e+00, v38  }
0xdb: {  	s21 =	sor.u32 s5, s8;
	v43 =	vld [tilespmem:s12+$0x280];
	vm1 =	veq.f32 v12, v23;
	v13 =	vpop (erf);
	v23 =	vmul.f32 $1.442695020e+00, v39;
	v32 =	vmul.f32 $1.442695020e+00, v40  }
0xdc: {  	v19 =	vmul.f32 v11, v13;
	v13 =	vand.u32 $0x3C00, v14;
	v14 =	vand.u32 $0x4F, v25;
	v25 =	vld [tilespmem:s21+$0x0]  }
0xdd: {  	s11 =	sand.u32 $0x40, s2;
	v45 =	vld [tilespmem:s12+$0x300];
	v11 =	vand.u32 $0x5F, v28;
	v28 =	vand.u32 $0x3C00, v29;
	v29 =	vand.u32 $0x6F, v30  }
0xde: {  	s9 =	sand.u32 $0x60, s6;
	s13 =	sor.u32 s11, s8;
	v14 =	vor.u32 v13, v14;
	v13 =	vor.u32 v28, v29;
	v28 =	vmul.f32 $6.000000000e+01, v9;
	v29 =	vld [tilespmem:s21+$0x80]  }
0xdf: {  	v4 =	vimm.f32 $1.000000000e+00;
	s22 =	sor.u32 s9, s8;
	v34 =	vld [tilespmem:s13+$0x80];
	v49 =	vmul.f32 $1.442695020e+00, v41;
	v35 =	vmul.f32 $1.442695020e+00, v42  }
0xe0: {  	v21 =	vadd.s32 v58, v24;
	v51 =	vmul.f32 $1.442695020e+00, v43;
	v12 =	vtrunc.f32 v28;
	v28 =	vld [tilespmem:s22+$0x0]  }
0xe1: {  	v10 =	vlaneseq.u32;
	(erf) = vpow2.f32 v46;
	v47 =	vmul.f32 $1.442695020e+00, v25  }
0xe2: {  	v48 =	vld [tilespmem:s22+$0x80];
	v22 =	vadd.s32 v59, v24;
	v53 =	vmul.f32 $1.442695020e+00, v45;
	(erf) = vpow2.f32 v23  }
0xe3: {  	v36 =	vld [tilespmem:s21+$0x100];
	v24 =	vadd.s32 v59, v27;
	v23 =	vmul.f32 $1.442695020e+00, v29;
	(erf) = vpow2.f32 v47  }
0xe4: {  	v55 =	vmul.f32 $1.442695020e+00, v34;
	v33 =	vmax.f32 v25, v29;
	v29 =	vld [tilespmem:s13+$0x0];
	(erf) = vpow2.f32 v32  }
0xe5: {  	v44 =	vld [tilespmem:s22+$0x100];
	v39 =	vmax.f32 v38, v39;
	v50 =	vmul.f32 $1.442695020e+00, v28;
	(erf) = vpow2.f32 v23  }
0xe6: {  	v30 =	vadd.s32 v58, v26;
	v39 =	vmax.f32 v39, v40;
	v46 =	vld [tilespmem:s12+$0x380];
	(erf) = vpow2.f32 v49  }
0xe7: {  	s23 =	sor.u32 $0x4000, s8;
	v38 =	vld [tilespmem:s21+$0x280];
	v37 =	vmax.f32 v28, v48;
	v28 =	vmul.f32 $1.442695020e+00, v48;
	(erf) = vpow2.f32 v50  }
0xe8: {  	v40 =	vld [tilespmem:s22+$0x280];
	v11 =	vor.u32 v31, v11;
	s12 =	sor.u32 s15, s23;
	v39 =	vmax.f32 v39, v41;
	(erf) = vpow2.f32 v35  }
0xe9: {  	s1 =	sor.u32 $0x4080, s8;
	v25 =	vor.u32 v56, v27;
	v47 =	vld [tilespmem:s12+$0x0];
	v52 =	vmul.f32 $1.442695020e+00, v29;
	(erf) = vpow2.f32 v28  }
0xea: {  	s15 =	sor.u32 s15, s1;
	v31 =	vld [tilespmem:s13+$0x100];
	v23 =	vadd.s32 v58, v27;
	v27 =	vor.u32 v56, v26;
	v54 =	vpop (erf);
	(erf) = vpow2.f32 v51  }
0xeb: {  	v48 =	vld [tilespmem:s15+$0x0];
	v49 =	vmul.f32 $1.442695020e+00, v46;
	v56 =	vpop (erf);
	v28 =	vadd.s32 v59, v26;
	(erf) = vpow2.f32 v52  }
0xec: {  	v41 =	vld [tilespmem:s13+$0x280];
	v26 =	vmax.f32 v29, v34;
	v34 =	vadd.f32 v56, v54;
	v50 =	vpop (erf);
	(erf) = vpow2.f32 v53  }
0xed: {  	v1 =	vmul.f32 $1.442695020e+00, v36;
	v42 =	vmax.f32 v39, v42;
	v39 =	vld [tilespmem:s21+$0x300];
	(erf) = vpow2.f32 v55;
	v29 =	vpop (erf)  }
0xee: {  	v32 =	vld [tilespmem:s21+$0x180];
	v51 =	vmul.f32 $1.442695020e+00, v47;
	v52 =	vadd.f32 v29, v34;
	v29 =	vpop (erf);
	(erf) = vpow2.f32 v49  }
0xef: {  	v57 =	vmul.f32 $1.442695020e+00, v44;
	v35 =	vmax.f32 v33, v36;
	v33 =	vld [tilespmem:s22+$0x180];
	(erf) = vpow2.f32 v1;
	v58 =	vpop (erf)  }
0xf0: {  	v53 =	vmul.f32 $1.442695020e+00, v48;
	v34 =	vld [tilespmem:s13+$0x180];
	v52 =	vadd.f32 v58, v52;
	v54 =	vpop (erf);
	(erf) = vpow2.f32 v51  }
0xf1: {  	v43 =	vmax.f32 v42, v43;
	v42 =	vld [tilespmem:s22+$0x300];
	v59 =	vmul.f32 $1.442695020e+00, v31;
	(erf) = vpow2.f32 v57;
	v60 =	vpop (erf)  }
0xf2: {  	v50 =	vadd.f32 v29, v50;
	v29 =	vld [tilespmem:s21+$0x200];
	v49 =	vadd.f32 v60, v52;
	v55 =	vpop (erf);
	(erf) = vpow2.f32 v53  }
0xf3: {  	v0 =	vmul.f32 $6.000000000e+01, v19;
	v44 =	vmax.f32 v37, v44;
	v36 =	vld [tilespmem:s22+$0x200];
	v61 =	vmul.f32 $1.442695020e+00, v32;
	v62 =	vpop (erf)  }
0xf4: {  	v37 =	vld [tilespmem:s13+$0x200];
	v63 =	vmul.f32 $1.442695020e+00, v33;
	(erf) = vpow2.f32 v59;
	v49 =	vadd.f32 v62, v49;
	v51 =	vpop (erf)  }
0xf5: {  	v45 =	vmax.f32 v43, v45;
	v43 =	vld [tilespmem:s13+$0x300];
	v2 =	vmul.f32 $1.442695020e+00, v34;
	(erf) = vpow2.f32 v61;
	v60 =	vpop (erf)  }
0xf6: {  	v46 =	vmax.f32 v45, v46;
	v45 =	vld [tilespmem:s21+$0x380];
	v49 =	vadd.f32 v60, v49;
	v57 =	vpop (erf);
	(erf) = vpow2.f32 v63  }
0xf7: {  	v46 =	vmax.f32 v46, v47;
	v47 =	vld [tilespmem:s22+$0x380];
	v61 =	vmul.f32 $1.442695020e+00, v29;
	(erf) = vpow2.f32 v2;
	v62 =	vpop (erf)  }
0xf8: {  	s24 =	sor.u32 s11, s23;
	v52 =	vmax.f32 v46, v48;
	v48 =	vld [tilespmem:s13+$0x380];
	v63 =	vmul.f32 $1.442695020e+00, v36;
	v49 =	vadd.f32 v62, v49;
	v53 =	vpop (erf)  }
0xf9: {  	s6 =	sor.u32 s5, s23;
	s23 =	sor.u32 s9, s23;
	v1 =	vmul.f32 $1.442695020e+00, v37;
	v46 =	vld [tilespmem:s24+$0x0];
	v54 =	vadd.f32 v55, v54;
	(erf) = vpow2.f32 v61;
	v2 =	vpop (erf)  }
0xfa: {  	s8 =	sor.u32 s11, s1;
	v57 =	vadd.f32 v57, v51;
	v51 =	vld [tilespmem:s23+$0x0];
	v49 =	vadd.f32 v2, v49;
	v59 =	vpop (erf);
	(erf) = vpow2.f32 v63  }
0xfb: {  	s5 =	sor.u32 s5, s1;
	v55 =	vmul.f32 $1.442695020e+00, v52;
	v63 =	vadd.f32 v53, v50;
	v50 =	vld [tilespmem:s8+$0x0];
	(erf) = vpow2.f32 v1;
	v56 =	vpop (erf)  }
0xfc: {  	s9 =	sor.u32 s9, s1;
	[tilespmem:$0x1FFD0] =	vst v0;
	v0 =	vmul.f32 $1.442695020e+00, v38;
	v60 =	vmul.f32 $1.442695020e+00, v40;
	v53 =	vld [tilespmem:s5+$0x0];
	v56 =	vadd.f32 v56, v49  }
0xfd: {  	v62 =	vmul.f32 $1.442695020e+00, v41;
	v1 =	vadd.f32 v59, v54;
	v54 =	vld [tilespmem:s9+$0x0];
	v61 =	vpop (erf);
	(erf) = vpow2.f32 v55  }
0xfe: {  	v26 =	vmax.f32 v26, v31;
	v49 =	vld [tilespmem:s6+$0x0];
	v55 =	vmul.f32 $1.442695020e+00, v39;
	v2 =	vpop (erf);
	(erf) = vrcp.f32 v56  }
0xff: {  	s30 =	sadd.s32 $0x40, s30;
	[tilespmem:v20+s18+$0x0] =	vst.idx.add.f32.msk $0xffff, v4;
	v57 =	vadd.f32 v61, v57;
	v56 =	vmul.f32 $1.442695020e+00, v42;
	(erf) = vpow2.f32 v0;
	v58 =	vpop (erf)  }
0x100: {  	v20 =	vld [tilespmem:s30+$0xFFFFFFE0];
	v2 =	vadd.f32 v2, v63;
	v63 =	vmul.f32 $1.442695020e+00, v48;
	v61 =	vpop (erf);
	(erf) = vpow2.f32 v60  }
0x101: {  	v0 =	vmul.f32 $1.442695020e+00, v43;
	(erf) = vpow2.f32 v62;
	v57 =	vadd.f32 v61, v57;
	v61 =	vld [tilespmem:s30+$0x10]  }
0x102: {  	[tilespmem:v27+s18+$0x0] =	vst.idx.add.f32.msk $0xffff, v4;
	v58 =	vadd.f32 v58, v1;
	v62 =	vmul.f32 $1.442695020e+00, v47;
	v59 =	vpop (erf);
	(erf) = vpow2.f32 v55  }
0x103: {  	[tilespmem:v28+s18+$0x0] =	vst.idx.add.f32.msk $0xffff, v8;
	v60 =	vmul.f32 $1.442695020e+00, v45;
	v2 =	vadd.f32 v59, v2;
	v1 =	vpop (erf);
	(erf) = vpow2.f32 v56  }
0x104: {  	[tilespmem:v30+s18+$0x0] =	vst.idx.add.f32.msk $0xffff, v5;
	v59 =	vpop (erf);
	(erf) = vpow2.f32 v0;
	v1 =	vadd.f32 v1, v58;
	v58 =	vmov s0  }
0x105: {  	v55 =	vld [tilespmem:s30+$0xFFFFFFF0];
	(erf) = vpow2.f32 v60;
	v60 =	vor.u32 s0, v10;
	v58 =	vshll.u32 v58, $0x3  }
0x106: {  	[tilespmem:v22+s18+$0x0] =	vst.idx.add.f32.msk $0xffff, v17;
	(erf) = vpow2.f32 v62;
	v62 =	vpop (erf);
	v60 =	vand.u32 $0x7F, v60;
	v22 =	vshll.u32 v61, $0xB  }
0x107: {  	[tilespmem:v21+s18+$0x0] =	vst.idx.add.f32.msk $0xffff, v7;
	v58 =	vand.u32 $0x3C00, v58;
	v21 =	vshll.u32 v61, $0x7;
	(erf) = vpow2.f32 v63;
	v63 =	vpop (erf)  }
0x108: {  	v56 =	vld [tilespmem:s30+$0x0];
	v7 =	vand.u32 $0xFFFFC000, v22;
	v22 =	vor.u32 v58, v60;
	v17 =	vmul.f32 v63, v62  }
0x109: {  	v3 =	vmul.f32 $1.442695020e+00, v46;
	v5 =	vmovc v19;
	[tilespmem:v25+s18+$0x0] =	vst.idx.add.f32.msk $0xffff, v4;
	v21 =	vand.u32 $0x380, v21;
	v7 =	vor.u32 v7, v22  }
0x10a: {  	v8 =	vmul.f32 $1.442695020e+00, v50;
	[tilespmem:v24+s18+$0x0] =	vst.idx.add.f32.msk $0xffff, v16;
	v62 =	vpop (erf);
	v7 =	vor.u32 v21, v7;
	v60 =	vmul.f32 $6.000000000e+01, v17  }
0x10b: {  	v0 =	vmul.f32 $1.442695020e+00, v49;
	v16 =	vmul.f32 $1.442695020e+00, v51;
	[tilespmem:v23+s18+$0x0] =	vst.idx.add.f32.msk $0xffff, v6;
	v6 =	vadd.f32 v59, v57;
	v58 =	vpop (erf)  }
0x10c: {  	v57 =	vimm.f32 $0.0e+00;
	v2 =	vadd.f32 v62, v2;
	v25 =	vpop (erf);
	(erf) = vpow2.f32 v3  }
0x10d: {  	v1 =	vadd.f32 v58, v1;
	v3 =	vpop (erf);
	(erf) = vpow2.f32 v0;
	v21 =	vtrunc.f32 v60  }
0x10e: {  	v24 =	vadd.f32 v25, v6;
	v25 =	vmul.f32 $1.442695020e+00, v54;
	v61 =	vcvt.f32.s32 v21;
	v60 =	vpop (erf)  }
0x10f: {  	v2 =	vadd.f32 v3, v2;
	v28 =	vld.idx.msk [tilespmem:v7+s4+$0x0], $0xffff;
	v7 =	vmov v9;
	v9 =	vmax.f32 v26, v34;
	v22 =	vpop (erf)  }
0x110: {  	v59 =	vld [tilespmem:$0x1FFE0];
	(erf) = vpow2.f32 v16;
	v16 =	vmul.f32 $1.442695020e+00, v53;
	vm3 =	vlt.s32 v61, $0x3B;
	v23 =	vpop (erf)  }
0x111: {  	v58 =	vld [tilespmem:$0x1FFF0];
	v0 =	vadd.f32 v60, v1;
	v9 =	vmax.f32 v9, v37;
	v60 =	vshll.u32 v55, $0x7;
	v27 =	vpop (erf)  }
0x112: {  	v62 =	vnsel vm3, $0x3B, v61;
	v19 =	vadd.f32 v22, v24;
	v21 =	vpop (erf);
	(erf) = vpow2.f32 v8  }
0x113: {  	v9 =	vmax.f32 v9, v41;
	v63 =	vshll.u32 v62, $0x7;
	(erf) = vpow2.f32 v16  }
0x114: {  	v2 =	vadd.f32 v23, v2;
	v9 =	vmax.f32 v9, v43;
	(erf) = vpow2.f32 v25  }
0x115: {  	v6 =	vmovc v18;
	v8 =	vmax.f32 v35, v32;
	v18 =	vor.u32 v10, v63;
	v3 =	vadd.s32 v59, v63  }
0x116: {  	v35 =	vadd.s32 v58, v63;
	v0 =	vadd.f32 v27, v0;
	v9 =	vmax.f32 v9, v48  }
0x117: {  	v16 =	vmax.f32 v44, v33;
	v22 =	vpop (erf);
	v8 =	vmax.f32 v8, v29;
	vm12 =	veq.f32 v28, v52  }
0x118: {  	v9 =	vmax.f32 v9, v46;
	v16 =	vmax.f32 v16, v36;
	v24 =	vpop (erf);
	v8 =	vmax.f32 v8, v38  }
0x119: {  	v23 =	vsel vm12, $0x3F800000, v57;
	v16 =	vmax.f32 v16, v40;
	v2 =	vadd.f32 v24, v2  }
0x11a: {  	v16 =	vmax.f32 v16, v42;
	[tilespmem:v18+s18+$0x0] =	vst.idx.add.f32.msk $0xffff, v4;
	v18 =	vadd.f32 v21, v19;
	v19 =	vshll.u32 v20, $0xB;
	v25 =	vpop (erf)  }
0x11b: {  	v16 =	vmax.f32 v16, v47;
	[tilespmem:v3+s18+$0x0] =	vst.idx.add.f32.msk $0xffff, v23;
	v3 =	vmax.f32 v8, v39;
	v8 =	vshll.u32 v55, $0xB;
	v44 =	vpop (erf)  }
0x11c: {  	v16 =	vmax.f32 v16, v51;
	v52 =	vand.u32 $0xFFFFC000, v19;
	[tilespmem:v35+s18+$0x0] =	vst.idx.add.f32.msk $0xffff, v17;
	v0 =	vadd.f32 v25, v0;
	v17 =	vpop (erf)  }
0x11d: {  	v3 =	vmax.f32 v3, v45;
	v18 =	vadd.f32 v22, v18;
	v24 =	vpop (erf);
	v2 =	vadd.f32 v17, v2  }
0x11e: {  	v21 =	vmax.f32 v16, v54;
	v3 =	vmax.f32 v3, v49;
	v0 =	vadd.f32 v24, v0  }
0x11f: {  	v23 =	vmax.f32 v3, v53;
	v1 =	vadd.f32 v44, v18;
	(erf) = vrcp.f32 v2  }
0x120: {  	v22 =	vmax.f32 v9, v50;
	v3 =	vmul.f32 $1.442695020e+00, v23;
	(erf) = vrcp.f32 v0  }
0x121: {  	v8 =	vand.u32 $0xFFFFC000, v8;
	v9 =	vmul.f32 $1.442695020e+00, v21;
	(erf) = vrcp.f32 v1  }
0x122: {  	v1 =	vand.u32 $0x380, v60;
	(erf) = vpow2.f32 v3;
	v3 =	vor.u32 v8, v11  }
0x123: {  	v16 =	vmul.f32 $1.442695020e+00, v22;
	v53 =	vshll.u32 v20, $0x7;
	v1 =	vor.u32 v1, v3;
	v3 =	vld [tilespmem:$0x1FFD0]  }
0x124: {  	v18 =	vshll.u32 v56, $0x7;
	v17 =	vshll.u32 v56, $0xB;
	(erf) = vpow2.f32 v9  }
0x125: {  	v56 =	vlaneseq.u32;
	v2 =	vor.u32 v52, v14;
	v0 =	vand.u32 $0x380, v53  }
0x126: {  	v61 =	vand.u32 $0x380, v18;
	v17 =	vand.u32 $0xFFFFC000, v17;
	v0 =	vor.u32 v0, v2  }
0x127: {  	s31 =	sadd.s32 $0x4, s31;
	v8 =	vor.u32 v17, v13;
	v17 =	vsel vm1, $0x3F800000, v57;
	v9 =	vcvt.f32.s32 v12  }
0x128: {  	p0 =	slt.u32 s31, $0x7C;
	v2 =	vor.u32 v61, v8;
	v12 =	vcvt.f32.s32 v15;
	v3 =	vtrunc.f32 v3  }
.Ltmp1:
0x129: {  	v8 =	vsel vm0, $0x3F800000, v57;
	(erf) = vpow2.f32 v16;
	v14 =	vpop (erf);
	v3 =	vcvt.f32.s32 v3;
	(pc) =	sbr.rel @p0 .LBB2_5-.Ltmp1, $4  }
0x12a: {  	v16 =	vsel vm2, $0x3F800000, v57;
	vm13 =	vlt.s32 v9, $0x3B;
	vm14 =	vlt.s32 v12, $0x3B;
	v13 =	vpop (erf)  }
0x12b: {  	v10 =	vld.idx.msk [tilespmem:v0+s4+$0x0], $0xffff;
	v62 =	vnsel vm13, $0x3B, v9;
	v9 =	vnsel vm14, $0x3B, v12;
	v11 =	vpop (erf);
	vm15 =	vlt.s32 v3, $0x3B  }
0x12c: {  	v24 =	vshll.u32 v62, $0x7;
	v27 =	vshll.u32 v9, $0x7;
	v12 =	vld.idx.msk [tilespmem:v1+s4+$0x0], $0xffff;
	v63 =	vpop (erf);
	v3 =	vnsel vm15, $0x3B, v3  }
0x12d: {  	s2 =	sadd.s32 $0x40, s2;
	v15 =	vld.idx.msk [tilespmem:v2+s4+$0x0], $0xffff;
	v20 =	vor.u32 v56, v24;
	v9 =	vmul.f32 v14, v63;
	v14 =	vpop (erf);
	v26 =	vshll.u32 v3, $0x7  }
0x12e: {  	_ = 	snop  }
0x12f: {  	v1 =	vadd.s32 v59, v24  }
0x130: {  	v2 =	vmul.f32 v13, v14;
	v13 =	vadd.s32 v58, v24  }
0x131: {  	v0 =	vmul.f32 $6.000000000e+01, v9  }
0x132: {  	v52 =	vimm.f32 $1.000000000e+00;
	v14 =	vmul.f32 $6.000000000e+01, v2;
	v3 =	vpop (erf)  }
0x133: {  	[tilespmem:v20+s18+$0x0] =	vst.idx.add.f32.msk $0xffff, v52;
	v0 =	vtrunc.f32 v0;
	v3 =	vmul.f32 v11, v3;
	v11 =	vor.u32 v56, v27  }
0x134: {  	v18 =	vadd.s32 v59, v27;
	v0 =	vcvt.f32.s32 v0;
	v14 =	vtrunc.f32 v14;
	[tilespmem:v1+s18+$0x0] =	vst.idx.add.f32.msk $0xffff, v17  }
0x135: {  	v24 =	vadd.s32 v58, v27;
	[tilespmem:v13+s18+$0x0] =	vst.idx.add.f32.msk $0xffff, v7;
	v7 =	vcvt.f32.s32 v14  }
0x136: {  	v54 =	vadd.s32 v59, v26;
	v20 =	vor.u32 v56, v26;
	vm0 =	vlt.s32 v0, $0x3B  }
0x137: {  	v19 =	vmul.f32 $6.000000000e+01, v3;
	v0 =	vnsel vm0, $0x3B, v0;
	vm4 =	vlt.s32 v7, $0x3B  }
0x138: {  	v13 =	vadd.s32 v58, v26;
	v0 =	vshll.u32 v0, $0x7;
	v7 =	vnsel vm4, $0x3B, v7;
	[tilespmem:v11+s18+$0x0] =	vst.idx.add.f32.msk $0xffff, v52  }
0x139: {  	v14 =	vor.u32 v56, v0;
	v11 =	vtrunc.f32 v19;
	v7 =	vshll.u32 v7, $0x7;
	[tilespmem:v18+s18+$0x0] =	vst.idx.add.f32.msk $0xffff, v16  }
0x13a: {  	v55 =	vor.u32 v56, v7;
	[tilespmem:v24+s18+$0x0] =	vst.idx.add.f32.msk $0xffff, v6;
	v6 =	vcvt.f32.s32 v11  }
0x13b: {  	[tilespmem:v20+s18+$0x0] =	vst.idx.add.f32.msk $0xffff, v52;
	v11 =	vadd.s32 v59, v0  }
0x13c: {  	[tilespmem:v54+s18+$0x0] =	vst.idx.add.f32.msk $0xffff, v8;
	v0 =	vadd.s32 v58, v0;
	vm5 =	vlt.s32 v6, $0x3B  }
0x13d: {  	[tilespmem:v13+s18+$0x0] =	vst.idx.add.f32.msk $0xffff, v5;
	v5 =	vnsel vm5, $0x3B, v6;
	v6 =	vadd.s32 v59, v7  }
0x13e: {  	vm1 =	veq.f32 v12, v23;
	[tilespmem:v14+s18+$0x0] =	vst.idx.add.f32.msk $0xffff, v52;
	v7 =	vadd.s32 v58, v7;
	v5 =	vshll.u32 v5, $0x7  }
0x13f: {  	v8 =	vsel vm1, $0x3F800000, v57;
	[tilespmem:v55+s18+$0x0] =	vst.idx.add.f32.msk $0xffff, v52;
	v12 =	vor.u32 v56, v5  }
0x140: {  	vm6 =	veq.f32 v15, v21;
	[tilespmem:v11+s18+$0x0] =	vst.idx.add.f32.msk $0xffff, v8  }
0x141: {  	v60 =	vsel vm6, $0x3F800000, v57;
	v8 =	vadd.s32 v59, v5;
	[tilespmem:v0+s18+$0x0] =	vst.idx.add.f32.msk $0xffff, v9  }
0x142: {  	v5 =	vadd.s32 v58, v5;
	[tilespmem:v6+s18+$0x0] =	vst.idx.add.f32.msk $0xffff, v60  }
0x143: {  	[tilespmem:v7+s18+$0x0] =	vst.idx.add.f32.msk $0xffff, v2  }
0x144: {  	vm7 =	veq.f32 v10, v22;
	[tilespmem:v12+s18+$0x0] =	vst.idx.add.f32.msk $0xffff, v52  }
0x145: {  	p0 =	seq.s32 s26, $0x1F;
	v61 =	vsel vm7, $0x3F800000, v57;
	s0 =	rddreg [dreg:$0x6]  }
0x146: {  	s2 =	simm.s32 @!p0 $0x4000;
	s5 =	simm.s32 @!p0 $0x2000000;
	[tilespmem:v8+s18+$0x0] =	vst.idx.add.f32.msk $0xffff, v61;
	s0 =	sadd.s32 @!p0 s28, s0  }
0x147: {  	s6 =	simm.s32 @!p0 $0x0;
	[tilespmem:v5+s18+$0x0] =	vst.idx.add.f32.msk $0xffff, v3;
	s1 =	sadd.s32 @!p0 s3, s0;
	s0 =	sshrl.u32 @!p0 s0, $0x3  }
0x148: {  	[tilespmem:s6], [sflag:$0x1] =	stream.strided.gather @!p0 [hbm4b:s1+s2], $0x8000, s5, s2, $0x38;
	[tilespmem:$0x16C00] =	vst v63  }
0x149: {  	s0 =	sadd.s32 @!p0 s7, s0;
	s1 =	simm.s32 @!p0 $0x10000  }
0x14a: {  	[tilespmem:s1], [sflag:$0x3] =	stream.linear.gather @!p0 [hbm4b:s0+s6], $0x800, $0x38;
	[tilespmem:$0x16C00] =	vst v63  }
0x14b: {  	_ =	swait.ge [sflag:s19], $0x8000  }
0x14c: {  	[sflag:s19] =	ssyncset.done $0x0  }
0x14d: {  	s13 =	simm.s32 $0x0;
	[sflag:s19] =	ssyncadd.s32 $0xFFFF8000  }
0x14e: {  	s9 =	sand.u32 $0x3C00, s13;
	s0 =	simm.s32 $0x30;
	_ =	swait.ge [sflag:s20], $0x800  }
0x14f: {  	s15 =	sor.u32 $0x8000, s9;
	s8 =	sand.u32 $0x70, s0;
	[sflag:s20] =	ssyncset.done $0x0  }
0x150: {  	s11 =	sor.u32 s8, s15;
	[sflag:s20] =	ssyncadd.s32 $0xFFFFF800  }
0x151: {  	s2 =	sand.u32 $0x40, s13;
	v62 =	vld [tilespmem:s11+$0x0]  }
0x152: {  	s22 =	sor.u32 s2, s15;
	v63 =	vld [tilespmem:s11+$0x80]  }
0x153: {  	v31 =	vld [tilespmem:s22+$0x0]  }
0x154: {  	s21 =	simm.s32 $0x10;
	s23 =	simm.s32 $0x20;
	v8 =	vld [tilespmem:s11+$0x100]  }
0x155: {  	v10 =	vmov s23;
	s28 =	sand.u32 $0x50, s21;
	v9 =	vld [tilespmem:s22+$0x80]  }
0x156: {  	s24 =	sor.u32 $0xC000, s9;
	v10 =	vshll.u32 v10, $0x3;
	v6 =	vmov s21;
	s29 =	sor.u32 s28, s15;
	v19 =	vld [tilespmem:s11+$0x180]  }
0x157: {  	s12 =	smov.u32 s3;
	v32 =	vmov s13;
	v10 =	vand.u32 $0x3C00, v10;
	v6 =	vshll.u32 v6, $0x3;
	s3 =	sor.u32 s8, s24;
	v13 =	vld [tilespmem:s29+$0x0]  }
0x158: {  	v7 =	vor.u32 s21, v56;
	v12 =	vor.u32 s23, v56;
	v6 =	vand.u32 $0x3C00, v6;
	v24 =	vld [tilespmem:s3+$0x0]  }
0x159: {  	v7 =	vand.u32 $0x5F, v7;
	v12 =	vand.u32 $0x6F, v12;
	v5 =	vor.u32 s13, v56;
	v25 =	vld [tilespmem:s29+$0x100]  }
0x15a: {  	v3 =	vshll.u32 v32, $0x3;
	v11 =	vmul.f32 $1.442695020e+00, v62;
	v14 =	vmul.f32 $1.442695020e+00, v63  }
0x15b: {  	v3 =	vand.u32 $0x3C00, v3;
	v20 =	vld [tilespmem:s11+$0x200];
	v15 =	vmul.f32 $1.442695020e+00, v31;
	v16 =	vmul.f32 $1.442695020e+00, v8  }
0x15c: {  	v21 =	vld [tilespmem:s11+$0x280];
	v17 =	vmul.f32 $1.442695020e+00, v19;
	v18 =	vmul.f32 $1.442695020e+00, v13;
	v2 =	vmax.f32 v31, v9  }
0x15d: {  	s13 =	sand.u32 $0x60, s23;
	v22 =	vld [tilespmem:s11+$0x300];
	v28 =	vmul.f32 $1.442695020e+00, v24;
	v0 =	vmax.f32 v62, v63;
	(erf) = vpow2.f32 v11  }
0x15e: {  	s6 =	sor.u32 s13, s15;
	v34 =	vmul.f32 $1.442695020e+00, v25;
	v0 =	vmax.f32 v0, v8;
	v11 =	vld [tilespmem:s29+$0x80];
	(erf) = vpow2.f32 v14  }
0x15f: {  	v0 =	vmax.f32 v0, v19;
	v14 =	vmul.f32 $1.442695020e+00, v9;
	(erf) = vpow2.f32 v15;
	v15 =	vld [tilespmem:s6+$0x0]  }
0x160: {  	v19 =	vld [tilespmem:s22+$0x280];
	v0 =	vmax.f32 v0, v20;
	(erf) = vpow2.f32 v16;
	v16 =	vand.u32 $0x4F, v5  }
0x161: {  	v5 =	vor.u32 v6, v7;
	v6 =	vmul.f32 $1.442695020e+00, v20;
	(erf) = vpow2.f32 v14;
	v14 =	vld [tilespmem:s6+$0x80]  }
0x162: {  	v23 =	vld [tilespmem:s11+$0x380];
	v7 =	vor.u32 v3, v16;
	v16 =	vmul.f32 $1.442695020e+00, v21;
	(erf) = vpow2.f32 v17  }
0x163: {  	v33 =	vld [tilespmem:s22+$0x100];
	v0 =	vmax.f32 v0, v21;
	v17 =	vmul.f32 $1.442695020e+00, v11;
	(erf) = vpow2.f32 v18  }
0x164: {  	(erf) = vpow2.f32 v6;
	v6 =	vor.u32 v10, v12;
	v10 =	vmul.f32 $1.442695020e+00, v15  }
0x165: {  	v20 =	vld [tilespmem:s29+$0x280];
	v0 =	vmax.f32 v0, v22;
	v44 =	vmul.f32 $1.442695020e+00, v19;
	v12 =	vmul.f32 $1.442695020e+00, v22  }
0x166: {  	s21 =	sor.u32 $0xC080, s9;
	v21 =	vld [tilespmem:s6+$0x280];
	v26 =	vmax.f32 v13, v11;
	(erf) = vpow2.f32 v17;
	v13 =	vmul.f32 $1.442695020e+00, v14  }
0x167: {  	s11 =	sor.u32 s8, s21;
	v0 =	vmax.f32 v0, v23;
	v17 =	vpop (erf);
	(erf) = vpow2.f32 v16;
	v16 =	vmul.f32 $1.442695020e+00, v23;
	v23 =	vld [tilespmem:s29+$0x300]  }
0x168: {  	v27 =	vld [tilespmem:s11+$0x0];
	v62 =	vmov s0;
	v18 =	vmul.f32 $1.442695020e+00, v33;
	(erf) = vpow2.f32 v10;
	v10 =	vpop (erf)  }
0x169: {  	v9 =	vld [tilespmem:s6+$0x100];
	v11 =	vmax.f32 v15, v14;
	v10 =	vadd.f32 v10, v17;
	v17 =	vpop (erf);
	(erf) = vpow2.f32 v12  }
0x16a: {  	v14 =	vmax.f32 v2, v33;
	v33 =	vmul.f32 $1.442695020e+00, v20;
	v12 =	vld [tilespmem:s22+$0x180];
	(erf) = vpow2.f32 v13;
	v13 =	vpop (erf)  }
0x16b: {  	v15 =	vld [tilespmem:s29+$0x180];
	v45 =	vmul.f32 $1.442695020e+00, v21;
	v10 =	vadd.f32 v13, v10;
	v29 =	vpop (erf);
	(erf) = vpow2.f32 v16  }
0x16c: {  	v0 =	vmax.f32 v0, v24;
	v13 =	vld [tilespmem:s6+$0x180];
	v46 =	vmul.f32 $1.442695020e+00, v23;
	(erf) = vpow2.f32 v18;
	v35 =	vpop (erf)  }
0x16d: {  	v16 =	vld [tilespmem:s22+$0x200];
	v18 =	vmul.f32 $1.442695020e+00, v27;
	v3 =	vadd.f32 v35, v10;
	(erf) = vpow2.f32 v28  }
0x16e: {  	v30 =	vpop (erf);
	v28 =	vadd.f32 v29, v17;
	v10 =	vmul.f32 $1.442695020e+00, v9;
	(erf) = vpow2.f32 v34  }
0x16f: {  	v9 =	vmax.f32 v11, v9;
	v36 =	vpop (erf);
	v39 =	vmul.f32 $1.442695020e+00, v12;
	(erf) = vpow2.f32 v18  }
0x170: {  	v17 =	vld [tilespmem:s29+$0x200];
	v12 =	vmax.f32 v14, v12;
	v37 =	vadd.f32 v36, v3;
	v38 =	vpop (erf);
	(erf) = vpow2.f32 v10  }
0x171: {  	v18 =	vld [tilespmem:s6+$0x200];
	v8 =	vpop (erf);
	v10 =	vmul.f32 $1.442695020e+00, v15;
	v29 =	vmul.f32 $1.442695020e+00, v13;
	v2 =	vadd.f32 v38, v30  }
0x172: {  	v9 =	vmax.f32 v9, v13;
	v12 =	vmax.f32 v12, v16;
	v1 =	vadd.f32 v8, v37;
	v8 =	vpop (erf)  }
0x173: {  	(erf) = vpow2.f32 v39;
	v37 =	vor.u32 s0, v56;
	v12 =	vmax.f32 v12, v19;
	v40 =	vpop (erf)  }
0x174: {  	(erf) = vpow2.f32 v10;
	v10 =	vmul.f32 $1.442695020e+00, v16;
	v1 =	vadd.f32 v40, v1;
	v41 =	vpop (erf)  }
0x175: {  	v63 =	vand.u32 $0x7F, v37;
	(erf) = vpow2.f32 v29;
	v29 =	vmul.f32 $1.442695020e+00, v17;
	v22 =	vpop (erf)  }
0x176: {  	v32 =	vmul.f32 $1.442695020e+00, v18;
	(erf) = vpow2.f32 v10;
	v1 =	vadd.f32 v22, v1;
	v31 =	vpop (erf)  }
0x177: {  	v10 =	vmax.f32 v0, v27;
	v3 =	vadd.f32 v41, v8;
	v9 =	vmax.f32 v9, v18;
	v22 =	vld [tilespmem:s22+$0x300];
	v24 =	vpop (erf)  }
0x178: {  	s23 =	simm.s32 $0x10820;
	v9 =	vmax.f32 v9, v21;
	v28 =	vadd.f32 v31, v28;
	v42 =	vadd.f32 v24, v1  }
0x179: {  	v54 =	vld [tilespmem:s23+$0x10];
	v43 =	vpop (erf);
	(erf) = vpow2.f32 v29;
	v24 =	vmax.f32 v26, v25;
	v26 =	vmul.f32 $1.442695020e+00, v10  }
0x17a: {  	v25 =	vld [tilespmem:s6+$0x300];
	(erf) = vpow2.f32 v32;
	v27 =	vpop (erf);
	v1 =	vadd.f32 v43, v2;
	v14 =	vmax.f32 v24, v15  }
0x17b: {  	s5 =	sor.u32 s13, s21;
	s15 =	sor.u32 s2, s24;
	v29 =	vld [tilespmem:s22+$0x380];
	v0 =	vadd.f32 v27, v42;
	(erf) = vpow2.f32 v26;
	v34 =	vpop (erf);
	v13 =	vmax.f32 v14, v17  }
0x17c: {  	s22 =	sor.u32 s28, s24;
	s24 =	sor.u32 s13, s24;
	s13 =	simm.s32 $0x60;
	v8 =	vmul.f32 $1.442695020e+00, v22;
	v3 =	vadd.f32 v34, v3;
	v13 =	vmax.f32 v13, v20  }
0x17d: {  	v2 =	vld [tilespmem:s22+$0x0];
	v35 =	vpop (erf);
	v12 =	vmax.f32 v12, v22;
	v22 =	vor.u32 s13, v56;
	(erf) = vrcp.f32 v0  }
0x17e: {  	v27 =	vld [tilespmem:s29+$0x380];
	v28 =	vadd.f32 v35, v28;
	v35 =	vshll.u32 v54, $0x7;
	v13 =	vmax.f32 v13, v23  }
0x17f: {  	s2 =	sor.u32 s2, s21;
	v48 =	vpop (erf);
	v22 =	vand.u32 $0x6F, v22;
	(erf) = vpow2.f32 v44;
	v47 =	vmul.f32 $1.442695020e+00, v25  }
0x180: {  	v39 =	vld [tilespmem:s2+$0x0];
	v49 =	vmul.f32 $1.442695020e+00, v29;
	v50 =	vpop (erf);
	v1 =	vadd.f32 v48, v1;
	v12 =	vmax.f32 v12, v29  }
0x181: {  	v26 =	vld [tilespmem:s6+$0x380];
	v9 =	vmax.f32 v9, v25;
	(erf) = vpow2.f32 v33;
	v3 =	vadd.f32 v50, v3  }
0x182: {  	v0 =	vld [tilespmem:s15+$0x0];
	v53 =	vpop (erf);
	v61 =	vmul.f32 $1.442695020e+00, v2;
	v33 =	vshll.u32 v62, $0x3;
	(erf) = vpow2.f32 v45  }
0x183: {  	v51 =	vmul.f32 $1.442695020e+00, v27;
	v28 =	vadd.f32 v53, v28;
	(erf) = vpow2.f32 v8;
	v36 =	vpop (erf)  }
0x184: {  	v45 =	vshll.u32 v54, $0xB;
	(erf) = vpow2.f32 v46;
	v1 =	vadd.f32 v36, v1;
	v36 =	vld [tilespmem:s24+$0x0]  }
0x185: {  	s3 =	sor.u32 s28, s21;
	v33 =	vand.u32 $0x3C00, v33;
	v53 =	vmul.f32 $1.442695020e+00, v39;
	(erf) = vpow2.f32 v47  }
0x186: {  	v13 =	vmax.f32 v13, v27;
	v8 =	vmul.f32 $1.442695020e+00, v26;
	v46 =	vld [tilespmem:s3+$0x0];
	v60 =	vpop (erf);
	(erf) = vpow2.f32 v49  }
0x187: {  	v40 =	vld [tilespmem:s5+$0x0];
	v9 =	vmax.f32 v9, v26;
	v55 =	vmul.f32 $1.442695020e+00, v0;
	v38 =	vpop (erf);
	(erf) = vpow2.f32 v51  }
0x188: {  	v37 =	vand.u32 $0xFFFFC000, v45;
	v30 =	vor.u32 v33, v63;
	v44 =	vpop (erf);
	(erf) = vpow2.f32 v8  }
0x189: {  	v2 =	vmax.f32 v13, v2;
	(erf) = vpow2.f32 v55;
	v51 =	vpop (erf);
	v49 =	vmul.f32 $1.442695020e+00, v36  }
0x18a: {  	v62 =	vld [tilespmem:s23+$0xFFFFFFE0];
	v30 =	vor.u32 v37, v30;
	v0 =	vmax.f32 v12, v0;
	(erf) = vpow2.f32 v61;
	v54 =	vpop (erf)  }
0x18b: {  	s8 =	simm.s32 $0x200;
	v3 =	vadd.f32 v60, v3;
	v55 =	vmul.f32 $1.442695020e+00, v46;
	v60 =	vpop (erf);
	(erf) = vpow2.f32 v49  }
0x18c: {  	s9 =	sand.u32 $0x3C00, s8;
	s0 =	simm.s32 $0x70;
	v47 =	vand.u32 $0x380, v35;
	v61 =	vmul.f32 $1.442695020e+00, v40;
	v63 =	vpop (erf);
	(erf) = vpow2.f32 v53  }
0x18d: {  	s11 =	sor.u32 $0x8000, s9;
	s22 =	sand.u32 $0x70, s0;
	v0 =	vmax.f32 v0, v39;
	v1 =	vadd.f32 v54, v1;
	v11 =	vpop (erf);
	(erf) = vpow2.f32 v55  }
0x18e: {  	s3 =	sor.u32 s22, s11;
	v30 =	vor.u32 v47, v30;
	v28 =	vadd.f32 v51, v28;
	v24 =	vpop (erf);
	(erf) = vpow2.f32 v61  }
0x18f: {  	v26 =	vld [tilespmem:s3+$0x0];
	v17 =	vshll.u32 v62, $0xB;
	v3 =	vadd.f32 v60, v3;
	v1 =	vadd.f32 v11, v1;
	v11 =	vpop (erf)  }
0x190: {  	s6 =	simm.s32 $0x50;
	v27 =	vld [tilespmem:s3+$0x80];
	v42 =	vshll.u32 v62, $0x7;
	v41 =	vand.u32 $0xFFFFC000, v17;
	v28 =	vadd.f32 v63, v28;
	v14 =	vpop (erf)  }
0x191: {  	v17 =	vor.u32 s6, v56;
	v8 =	vmul.f32 v44, v38;
	v3 =	vadd.f32 v24, v3;
	v16 =	vpop (erf)  }
0x192: {  	v33 =	vld [tilespmem:s3+$0x280];
	v17 =	vand.u32 $0x5F, v17;
	v11 =	vadd.f32 v11, v28;
	v1 =	vadd.f32 v14, v1;
	v14 =	vpop (erf)  }
0x193: {  	v2 =	vmax.f32 v2, v46;
	v9 =	vmax.f32 v9, v36;
	v48 =	vmul.f32 $6.000000000e+01, v8;
	v18 =	vpop (erf)  }
0x194: {  	s29 =	sand.u32 $0x50, s6;
	v44 =	vmul.f32 $1.442695020e+00, v26;
	v3 =	vadd.f32 v16, v3;
	v11 =	vadd.f32 v14, v11;
	v19 =	vpop (erf)  }
0x195: {  	v15 =	vld [tilespmem:s23+$0xFFFFFFF0];
	s28 =	sor.u32 s29, s11;
	v46 =	vmul.f32 $1.442695020e+00, v27;
	v50 =	vtrunc.f32 v48;
	v1 =	vadd.f32 v18, v1;
	v12 =	vpop (erf)  }
0x196: {  	v48 =	vld [tilespmem:s28+$0x80];
	v31 =	vcvt.f32.s32 v50;
	v3 =	vadd.f32 v19, v3;
	v13 =	vpop (erf);
	v11 =	vadd.f32 v12, v11  }
0x197: {  	v27 =	vmax.f32 v26, v27;
	v54 =	vmul.f32 $1.442695020e+00, v33;
	v14 =	vld [tilespmem:s23+$0x0];
	v12 =	vpop (erf);
	v1 =	vadd.f32 v13, v1  }
0x198: {  	s24 =	simm.s32 $0x40;
	vm8 =	vlt.s32 v31, $0x3B;
	v3 =	vadd.f32 v12, v3;
	(erf) = vrcp.f32 v11  }
0x199: {  	s2 =	sand.u32 $0x40, s24;
	v19 =	vmax.f32 v9, v40;
	v9 =	vmul.f32 $1.442695020e+00, v0;
	(erf) = vrcp.f32 v1  }
0x19a: {  	s15 =	sor.u32 s2, s11;
	v16 =	vshll.u32 v15, $0xB;
	v13 =	vmul.f32 $1.442695020e+00, v2;
	(erf) = vrcp.f32 v3  }
0x19b: {  	v21 =	vld [tilespmem:s15+$0x0];
	v51 =	vmul.f32 $1.442695020e+00, v48;
	v16 =	vand.u32 $0xFFFFC000, v16;
	(erf) = vpow2.f32 v9  }
0x19c: {  	v24 =	vld [tilespmem:s15+$0x80];
	v5 =	vor.u32 v16, v5;
	v12 =	vshll.u32 v14, $0xB;
	(erf) = vpow2.f32 v13  }
0x19d: {  	v28 =	vld [tilespmem:s3+$0x100];
	v16 =	vor.u32 s24, v56;
	v14 =	vshll.u32 v14, $0x7;
	v12 =	vand.u32 $0xFFFFC000, v12  }
0x19e: {  	v1 =	vor.u32 v41, v7;
	v6 =	vor.u32 v12, v6;
	v9 =	vshll.u32 v15, $0x7  }
0x19f: {  	v7 =	vld.idx.msk [tilespmem:v30+s14+$0x0], $0xffff;
	v3 =	vand.u32 $0x380, v42;
	v43 =	vand.u32 $0x380, v9;
	v9 =	vand.u32 $0x380, v14  }
0x1a0: {  	v37 =	vld [tilespmem:s28+$0x100];
	v1 =	vor.u32 v3, v1;
	v3 =	vor.u32 v43, v5;
	v5 =	vor.u32 v9, v6  }
0x1a1: {  	v18 =	vmov s13;
	v55 =	vmax.f32 v21, v24;
	v11 =	vmul.f32 $1.442695020e+00, v19;
	v6 =	vpop (erf)  }
0x1a2: {  	v18 =	vshll.u32 v18, $0x3;
	v47 =	vand.u32 $0x4F, v16;
	v49 =	vmul.f32 $1.442695020e+00, v28;
	v30 =	vld [tilespmem:s3+$0x180];
	v13 =	vpop (erf)  }
0x1a3: {  	v28 =	vmax.f32 v27, v28;
	v15 =	vmov s24;
	(erf) = vpow2.f32 v11;
	v14 =	vpop (erf)  }
0x1a4: {  	v15 =	vshll.u32 v15, $0x3;
	v9 =	vnsel vm8, $0x3B, v31;
	vm9 =	veq.f32 v7, v10;
	v7 =	vpop (erf)  }
0x1a5: {  	v29 =	vand.u32 $0x3C00, v15;
	v43 =	vmul.f32 $1.442695020e+00, v37;
	(erf) = vpow2.f32 v44;
	v20 =	vld.idx.msk [tilespmem:v5+s14+$0x0], $0xffff;
	v5 =	vpop (erf)  }
0x1a6: {  	v34 =	vld [tilespmem:s3+$0x200];
	v12 =	vshll.u32 v9, $0x7;
	v7 =	vmul.f32 v6, v7;
	v6 =	vmul.f32 v13, v5  }
0x1a7: {  	v45 =	vld [tilespmem:s28+$0x0];
	v50 =	vmul.f32 $1.442695020e+00, v30;
	v28 =	vmax.f32 v28, v30;
	v11 =	vor.u32 v56, v12  }
0x1a8: {  	v26 =	vld [tilespmem:s28+$0x200];
	s23 =	sor.u32 $0xC000, s9;
	v9 =	vadd.s32 v59, v12;
	v13 =	vmov s6;
	v25 =	vmul.f32 $6.000000000e+01, v6  }
0x1a9: {  	v53 =	vld [tilespmem:s15+$0x100];
	s24 =	sor.u32 s22, s23;
	v10 =	vadd.s32 v58, v12;
	v12 =	vsel vm9, $0x3F800000, v57;
	v13 =	vshll.u32 v13, $0x3  }
0x1aa: {  	v36 =	vld [tilespmem:s24+$0x0];
	v15 =	vtrunc.f32 v25;
	v25 =	vand.u32 $0x3C00, v18;
	v18 =	vmul.f32 $1.442695020e+00, v21  }
0x1ab: {  	v31 =	vld [tilespmem:s3+$0x300];
	(erf) = vpow2.f32 v46;
	v30 =	vmax.f32 v28, v34;
	v23 =	vand.u32 $0x3C00, v13  }
0x1ac: {  	s21 =	sand.u32 $0x60, s13;
	v1 =	vld.idx.msk [tilespmem:v1+s14+$0x0], $0xffff;
	v5 =	vpop (erf);
	v16 =	vor.u32 v23, v17;
	v17 =	vmul.f32 $1.442695020e+00, v24;
	(erf) = vpow2.f32 v18  }
0x1ad: {  	v33 =	vmax.f32 v30, v33;
	v3 =	vld.idx.msk [tilespmem:v3+s14+$0x0], $0xffff;
	s6 =	sor.u32 s21, s11;
	v60 =	vmul.f32 v14, v5;
	(erf) = vpow2.f32 v49  }
0x1ae: {  	v14 =	vmul.f32 $6.000000000e+01, v7;
	vm2 =	veq.f32 v20, v19;
	v23 =	vld [tilespmem:s6+$0x0];
	(erf) = vpow2.f32 v17  }
0x1af: {  	v28 =	vld [tilespmem:s15+$0x280];
	v18 =	vor.u32 v29, v47;
	v29 =	vmul.f32 $1.442695020e+00, v45;
	(erf) = vpow2.f32 v50  }
0x1b0: {  	v20 =	vmul.f32 $1.442695020e+00, v31;
	v17 =	vor.u32 v25, v22;
	v22 =	vld [tilespmem:s6+$0x80];
	v25 =	vmul.f32 $1.442695020e+00, v34  }
0x1b1: {  	vm10 =	veq.f32 v1, v0;
	v1 =	vld [tilespmem:s3+$0x380];
	v13 =	vmul.f32 $6.000000000e+01, v60;
	(erf) = vpow2.f32 v29  }
0x1b2: {  	[tilespmem:v11+s18+$0x0] =	vst.idx.add.f32.msk $0xffff, v52;
	vm11 =	veq.f32 v3, v2;
	v14 =	vtrunc.f32 v14;
	(erf) = vpow2.f32 v25  }
0x1b3: {  	s3 =	sor.u32 $0xC080, s9;
	[tilespmem:v9+s18+$0x0] =	vst.idx.add.f32.msk $0xffff, v12;
	v3 =	vmax.f32 v45, v48;
	v21 =	vpop (erf);
	v19 =	vmul.f32 $1.442695020e+00, v23;
	(erf) = vpow2.f32 v51  }
0x1b4: {  	s8 =	sor.u32 s22, s3;
	[tilespmem:v10+s18+$0x0] =	vst.idx.add.f32.msk $0xffff, v8;
	v3 =	vmax.f32 v3, v37;
	v8 =	vcvt.f32.s32 v15;
	v25 =	vpop (erf);
	(erf) = vpow2.f32 v54  }
0x1b5: {  	v61 =	vld [tilespmem:s8+$0x0];
	v24 =	vmul.f32 $1.442695020e+00, v22;
	v25 =	vadd.f32 v25, v21;
	(erf) = vpow2.f32 v19;
	v62 =	vpop (erf)  }
0x1b6: {  	v29 =	vmul.f32 $1.442695020e+00, v1;
	v21 =	vmax.f32 v23, v22;
	v19 =	vld [tilespmem:s6+$0x100];
	(erf) = vpow2.f32 v20;
	v23 =	vpop (erf)  }
0x1b7: {  	v22 =	vld [tilespmem:s15+$0x180];
	v20 =	vmul.f32 $1.442695020e+00, v53;
	(erf) = vpow2.f32 v24;
	v63 =	vadd.f32 v23, v25;
	v42 =	vpop (erf)  }
0x1b8: {  	v30 =	vld [tilespmem:s28+$0x280];
	vm14 =	vlt.s32 v8, $0x3B;
	v24 =	vmul.f32 $1.442695020e+00, v36;
	(erf) = vpow2.f32 v29;
	v44 =	vpop (erf)  }
0x1b9: {  	v27 =	vld [tilespmem:s6+$0x200];
	v54 =	vmul.f32 $1.442695020e+00, v26;
	(erf) = vpow2.f32 v20;
	v2 =	vadd.f32 v44, v63  }
0x1ba: {  	v8 =	vnsel vm14, $0x3B, v8;
	v23 =	vld [tilespmem:s28+$0x180];
	v29 =	vmul.f32 $1.442695020e+00, v61;
	(erf) = vpow2.f32 v24  }
0x1bb: {  	v25 =	vmax.f32 v55, v53;
	v20 =	vld [tilespmem:s6+$0x180];
	v38 =	vpop (erf);
	v45 =	vmul.f32 $1.442695020e+00, v19;
	(erf) = vpow2.f32 v43  }
0x1bc: {  	v39 =	vadd.f32 v42, v62;
	v46 =	vpop (erf);
	(erf) = vpow2.f32 v29;
	v29 =	vmul.f32 $1.442695020e+00, v22  }
0x1bd: {  	v24 =	vld [tilespmem:s15+$0x200];
	v63 =	vmul.f32 $1.442695020e+00, v28;
	v44 =	vmul.f32 $1.442695020e+00, v30;
	v0 =	vadd.f32 v46, v2;
	v2 =	vpop (erf)  }
0x1be: {  	v19 =	vmax.f32 v21, v19;
	v43 =	vmul.f32 $1.442695020e+00, v27;
	v22 =	vmax.f32 v25, v22;
	v47 =	vpop (erf)  }
0x1bf: {  	(erf) = vpow2.f32 v45;
	v48 =	vmul.f32 $1.442695020e+00, v23;
	v0 =	vadd.f32 v47, v0;
	v41 =	vpop (erf)  }
0x1c0: {  	v3 =	vmax.f32 v3, v23;
	v49 =	vmul.f32 $1.442695020e+00, v20;
	(erf) = vpow2.f32 v29;
	v29 =	vpop (erf)  }
0x1c1: {  	v32 =	vld [tilespmem:s28+$0x300];
	v19 =	vmax.f32 v19, v20;
	v3 =	vmax.f32 v3, v26;
	v0 =	vadd.f32 v29, v0;
	v50 =	vpop (erf)  }
0x1c2: {  	v37 =	vld [tilespmem:s28+$0x380];
	v51 =	vmul.f32 $1.442695020e+00, v24;
	v2 =	vadd.f32 v2, v38;
	v29 =	vmax.f32 v33, v31;
	v53 =	vpop (erf)  }
0x1c3: {  	v34 =	vld [tilespmem:s15+$0x380];
	(erf) = vpow2.f32 v48;
	v1 =	vmax.f32 v29, v1;
	v0 =	vadd.f32 v53, v0;
	v42 =	vpop (erf)  }
0x1c4: {  	v19 =	vmax.f32 v19, v27;
	(erf) = vpow2.f32 v49;
	v31 =	vld [tilespmem:s6+$0x280];
	v1 =	vmax.f32 v1, v36;
	v55 =	vpop (erf)  }
0x1c5: {  	v33 =	vld [tilespmem:s6+$0x300];
	(erf) = vpow2.f32 v51;
	v1 =	vmax.f32 v1, v61;
	v0 =	vadd.f32 v55, v0;
	v61 =	vpop (erf)  }
0x1c6: {  	v3 =	vmax.f32 v3, v30;
	(erf) = vpow2.f32 v54;
	v35 =	vmul.f32 $1.442695020e+00, v1;
	v62 =	vpop (erf)  }
0x1c7: {  	v3 =	vmax.f32 v3, v32;
	v29 =	vld [tilespmem:s15+$0x300];
	(erf) = vpow2.f32 v43;
	v0 =	vadd.f32 v62, v0  }
0x1c8: {  	v40 =	vadd.f32 v50, v41;
	v50 =	vmul.f32 $1.442695020e+00, v32;
	(erf) = vpow2.f32 v35  }
0x1c9: {  	v3 =	vmax.f32 v3, v37;
	v54 =	vmul.f32 $1.442695020e+00, v34;
	(erf) = vrcp.f32 v0  }
0x1ca: {  	s9 =	sor.u32 s2, s23;
	v39 =	vadd.f32 v42, v39;
	v48 =	vmul.f32 $1.442695020e+00, v31;
	v43 =	vmul.f32 $1.442695020e+00, v33;
	v35 =	vld [tilespmem:s6+$0x380];
	v45 =	vpop (erf)  }
0x1cb: {  	s11 =	sor.u32 s29, s23;
	v2 =	vadd.f32 v61, v2;
	v61 =	vmul.f32 $1.442695020e+00, v37;
	v51 =	vpop (erf);
	v0 =	vld [tilespmem:s9+$0x0];
	(erf) = vpow2.f32 v63  }
0x1cc: {  	v46 =	vld [tilespmem:s11+$0x0];
	v49 =	vmul.f32 $1.442695020e+00, v29;
	v40 =	vadd.f32 v45, v40;
	v53 =	vpop (erf);
	(erf) = vpow2.f32 v44  }
0x1cd: {  	v36 =	vadd.f32 v51, v39;
	v55 =	vpop (erf);
	v2 =	vadd.f32 v53, v2;
	(erf) = vpow2.f32 v48  }
0x1ce: {  	s28 =	simm.s32 $0x10860;
	v53 =	vmov s0;
	v39 =	vadd.f32 v55, v40;
	v62 =	vpop (erf);
	(erf) = vpow2.f32 v49  }
0x1cf: {  	v40 =	vld [tilespmem:s28+$0x10];
	v63 =	vmul.f32 $1.442695020e+00, v35;
	v47 =	vpop (erf);
	v45 =	vadd.f32 v62, v36;
	(erf) = vpow2.f32 v50  }
0x1d0: {  	s15 =	sor.u32 s21, s23;
	v42 =	vmul.f32 $1.442695020e+00, v0;
	v48 =	vpop (erf);
	v2 =	vadd.f32 v47, v2;
	(erf) = vpow2.f32 v43  }
0x1d1: {  	s22 =	sor.u32 s2, s3;
	v47 =	vld [tilespmem:s15+$0x0];
	v43 =	vmul.f32 $1.442695020e+00, v46;
	(erf) = vpow2.f32 v54;
	v54 =	vor.u32 s0, v56;
	v49 =	vpop (erf)  }
0x1d2: {  	v50 =	vld [tilespmem:s22+$0x0];
	v39 =	vadd.f32 v48, v39;
	(erf) = vpow2.f32 v61;
	v55 =	vand.u32 $0x7F, v54;
	v62 =	vpop (erf)  }
0x1d3: {  	s24 =	sor.u32 s21, s3;
	v61 =	vshll.u32 v53, $0x3;
	(erf) = vpow2.f32 v63;
	v36 =	vmul.f32 v62, v49  }
0x1d4: {  	s23 =	sor.u32 s29, s3;
	v51 =	vld [tilespmem:s24+$0x0];
	v63 =	vshll.u32 v40, $0xB;
	v44 =	vand.u32 $0x3C00, v61;
	v40 =	vshll.u32 v40, $0x7  }
0x1d5: {  	v49 =	vld [tilespmem:s23+$0x0];
	v41 =	vand.u32 $0xFFFFC000, v63;
	v38 =	vor.u32 v44, v55;
	v53 =	vmul.f32 $6.000000000e+01, v36  }
0x1d6: {  	v40 =	vand.u32 $0x380, v40;
	v54 =	vmul.f32 $1.442695020e+00, v47;
	(erf) = vpow2.f32 v42  }
0x1d7: {  	v63 =	vmul.f32 $1.442695020e+00, v50;
	v38 =	vor.u32 v41, v38;
	v55 =	vtrunc.f32 v53  }
0x1d8: {  	(erf) = vpow2.f32 v43;
	v61 =	vpop (erf);
	v38 =	vor.u32 v40, v38;
	v40 =	vcvt.f32.s32 v55  }
0x1d9: {  	(erf) = vpow2.f32 v54;
	v62 =	vpop (erf);
	v42 =	vadd.f32 v61, v45;
	v54 =	vmul.f32 $1.442695020e+00, v51  }
0x1da: {  	v2 =	vadd.f32 v62, v2;
	v48 =	vmul.f32 $1.442695020e+00, v49;
	v53 =	vpop (erf);
	vm3 =	vlt.s32 v40, $0x3B  }
0x1db: {  	v39 =	vadd.f32 v53, v39;
	v55 =	vpop (erf);
	(erf) = vpow2.f32 v63;
	v21 =	vnsel vm3, $0x3B, v40  }
0x1dc: {  	v25 =	vpop (erf);
	(erf) = vpow2.f32 v48;
	v40 =	vadd.f32 v55, v42;
	v21 =	vshll.u32 v21, $0x7  }
0x1dd: {  	v62 =	vld [tilespmem:s28+$0xFFFFFFE0];
	v23 =	vpop (erf);
	(erf) = vpow2.f32 v54;
	v61 =	vor.u32 v56, v21;
	v20 =	vadd.s32 v59, v21  }
0x1de: {  	v38 =	vld.idx.msk [tilespmem:v38+s14+$0x0], $0xffff;
	v23 =	vadd.f32 v23, v39;
	v63 =	vadd.s32 v58, v21;
	v21 =	vmax.f32 v22, v24;
	v22 =	vpop (erf)  }
0x1df: {  	v3 =	vmax.f32 v3, v46;
	v19 =	vmax.f32 v19, v31;
	v2 =	vadd.f32 v25, v2;
	v24 =	vpop (erf)  }
0x1e0: {  	v19 =	vmax.f32 v19, v33;
	v21 =	vmax.f32 v21, v28;
	v42 =	vadd.f32 v22, v40;
	v22 =	vpop (erf)  }
0x1e1: {  	v19 =	vmax.f32 v19, v35;
	v2 =	vadd.f32 v24, v2;
	v21 =	vmax.f32 v21, v29;
	v24 =	vpop (erf)  }
0x1e2: {  	v47 =	vmax.f32 v19, v47;
	v22 =	vadd.f32 v22, v23;
	v21 =	vmax.f32 v21, v34;
	v23 =	vpop (erf)  }
0x1e3: {  	v27 =	vshll.u32 v62, $0xB;
	v25 =	vld [tilespmem:s28+$0xFFFFFFF0];
	vm12 =	veq.f32 v38, v1;
	v1 =	vadd.f32 v24, v42;
	v29 =	vpop (erf)  }
0x1e4: {  	v55 =	vtrunc.f32 v13;
	v27 =	vand.u32 $0xFFFFC000, v27;
	v2 =	vadd.f32 v23, v2;
	v45 =	vpop (erf)  }
0x1e5: {  	v0 =	vmax.f32 v21, v0;
	v29 =	vadd.f32 v29, v22;
	v21 =	vpop (erf);
	v1 =	vadd.f32 v45, v1  }
0x1e6: {  	v18 =	vor.u32 v27, v18;
	v24 =	vld [tilespmem:s28+$0x0];
	v23 =	vmax.f32 v0, v50;
	v2 =	vadd.f32 v21, v2;
	v48 =	vpop (erf)  }
0x1e7: {  	v22 =	vmax.f32 v3, v49;
	v3 =	vadd.f32 v48, v29;
	(erf) = vrcp.f32 v1  }
0x1e8: {  	v28 =	vshll.u32 v25, $0xB;
	v49 =	vmul.f32 $1.442695020e+00, v23;
	(erf) = vrcp.f32 v2  }
0x1e9: {  	v53 =	vshll.u32 v25, $0x7;
	v19 =	vmul.f32 $1.442695020e+00, v22;
	(erf) = vrcp.f32 v3  }
0x1ea: {  	v21 =	vmax.f32 v47, v51;
	v51 =	vand.u32 $0xFFFFC000, v28;
	(erf) = vpow2.f32 v49  }
0x1eb: {  	v28 =	vshll.u32 v62, $0x7;
	v50 =	vshll.u32 v24, $0xB;
	(erf) = vpow2.f32 v19  }
0x1ec: {  	v54 =	vshll.u32 v24, $0x7;
	v11 =	vand.u32 $0x380, v28;
	v1 =	vand.u32 $0xFFFFC000, v50  }
0x1ed: {  	v2 =	vor.u32 v51, v16;
	v11 =	vor.u32 v11, v18;
	v3 =	vand.u32 $0x380, v53  }
0x1ee: {  	v0 =	vand.u32 $0x380, v54;
	v1 =	vor.u32 v1, v17;
	v2 =	vor.u32 v3, v2  }
0x1ef: {  	v26 =	vsel vm12, $0x3F800000, v57;
	[tilespmem:v61+s18+$0x0] =	vst.idx.add.f32.msk $0xffff, v52;
	v61 =	vcvt.f32.s32 v14;
	v0 =	vor.u32 v0, v1  }
0x1f0: {  	v9 =	vsel vm2, $0x3F800000, v57;
	v27 =	vshll.u32 v8, $0x7;
	[tilespmem:v20+s18+$0x0] =	vst.idx.add.f32.msk $0xffff, v26;
	v3 =	vcvt.f32.s32 v55;
	v13 =	vpop (erf)  }
0x1f1: {  	[tilespmem:v63+s18+$0x0] =	vst.idx.add.f32.msk $0xffff, v36;
	vm13 =	vlt.s32 v61, $0x3B;
	v29 =	vmul.f32 $1.442695020e+00, v21;
	v16 =	vsel vm11, $0x3F800000, v57;
	v12 =	vpop (erf)  }
0x1f2: {  	v17 =	vsel vm10, $0x3F800000, v57;
	v1 =	vnsel vm13, $0x3B, v61;
	vm15 =	vlt.s32 v3, $0x3B;
	v10 =	vld.idx.msk [tilespmem:v11+s14+$0x0], $0xffff;
	v11 =	vpop (erf)  }
0x1f3: {  	v25 =	vshll.u32 v1, $0x7;
	(erf) = vpow2.f32 v29;
	v63 =	vnsel vm15, $0x3B, v3;
	v14 =	vld.idx.msk [tilespmem:v2+s14+$0x0], $0xffff;
	v62 =	vpop (erf)  }
0x1f4: {  	s30 =	simm.s32 $0x400;
	s31 =	simm.s32 $0x80;
	s29 =	simm.s32 $0x4;
	v20 =	vor.u32 v56, v25;
	v26 =	vshll.u32 v63, $0x7;
	v24 =	vld.idx.msk [tilespmem:v0+s14+$0x0], $0xffff;
	v8 =	vmul.f32 v13, v62;
	v13 =	vpop (erf)  }
.LBB2_7:
0x1f5: {  	s5 =	sand.u32 $0x3C00, s30;
	s0 =	sadd.s32 $0x30, s31  }
0x1f6: {  	s11 =	sor.u32 $0x8000, s5;
	s15 =	sand.u32 $0x70, s0  }
0x1f7: {  	s9 =	sor.u32 s15, s11  }
0x1f8: {  	s8 =	sand.u32 $0x40, s31;
	v38 =	vld [tilespmem:s9+$0x0]  }
0x1f9: {  	s1 =	sadd.s32 $0x10, s31;
	s21 =	sor.u32 s8, s11;
	v39 =	vld [tilespmem:s9+$0x80]  }
0x1fa: {  	v0 =	vmov s31;
	s2 =	sadd.s32 $0x20, s31;
	s6 =	sand.u32 $0x50, s1;
	v28 =	vld [tilespmem:s21+$0x0]  }
0x1fb: {  	v18 =	vmul.f32 v12, v13;
	s24 =	sand.u32 $0x60, s2;
	v13 =	vmov s2;
	v15 =	vor.u32 s2, v56;
	s2 =	sor.u32 s6, s11;
	v57 =	vld [tilespmem:s21+$0x80]  }
0x1fc: {  	v1 =	vor.u32 s31, v56;
	v0 =	vshll.u32 v0, $0x3;
	v3 =	vmov s1;
	v37 =	vld [tilespmem:s2+$0x0]  }
0x1fd: {  	v12 =	vor.u32 s1, v56;
	v1 =	vand.u32 $0x4F, v1;
	v55 =	vmul.f32 $6.000000000e+01, v8;
	v43 =	vld [tilespmem:s9+$0x200]  }
0x1fe: {  	v3 =	vshll.u32 v3, $0x3;
	v13 =	vshll.u32 v13, $0x3;
	v0 =	vand.u32 $0x3C00, v0;
	v30 =	vld [tilespmem:s2+$0x80]  }
0x1ff: {  	v53 =	vand.u32 $0x5F, v12;
	s13 =	sor.u32 s24, s11;
	v61 =	vmul.f32 $6.000000000e+01, v18;
	v3 =	vand.u32 $0x3C00, v3;
	v44 =	vld [tilespmem:s9+$0x280]  }
0x200: {  	v54 =	vand.u32 $0x6F, v15;
	v15 =	vor.u32 v0, v1;
	v49 =	vld [tilespmem:s13+$0x0];
	v12 =	vor.u32 v3, v53  }
0x201: {  	v45 =	vld [tilespmem:s9+$0x300];
	vm0 =	veq.f32 v10, v23;
	vm1 =	veq.f32 v14, v22;
	v14 =	vtrunc.f32 v61  }
0x202: {  	v50 =	vld [tilespmem:s13+$0x80];
	vm2 =	veq.f32 v24, v21;
	v22 =	vadd.s32 v59, v25;
	v23 =	vmul.f32 $1.442695020e+00, v38  }
0x203: {  	v40 =	vld [tilespmem:s9+$0x100];
	v21 =	vadd.s32 v58, v25;
	v29 =	vmul.f32 $1.442695020e+00, v39;
	v48 =	vmul.f32 $1.442695020e+00, v28  }
0x204: {  	v25 =	vor.u32 v56, v27;
	v1 =	vmul.f32 $1.442695020e+00, v57;
	v31 =	vmul.f32 $1.442695020e+00, v37  }
0x205: {  	v63 =	vld [tilespmem:s9+$0x180];
	v24 =	vadd.s32 v59, v27;
	v32 =	vmul.f32 $1.442695020e+00, v43;
	v51 =	vmul.f32 $1.442695020e+00, v44  }
0x206: {  	v10 =	vlaneseq.u32;
	v4 =	vmul.f32 $1.442695020e+00, v49;
	v52 =	vmul.f32 $1.442695020e+00, v45  }
0x207: {  	s22 =	sor.u32 $0xC000, s5;
	v2 =	vpop (erf);
	v0 =	vmax.f32 v37, v30;
	v5 =	vmul.f32 $1.442695020e+00, v50;
	(erf) = vpow2.f32 v23  }
0x208: {  	s3 =	sor.u32 s15, s22;
	v39 =	vmax.f32 v38, v39;
	v23 =	vmul.f32 $1.442695020e+00, v40;
	(erf) = vpow2.f32 v29  }
0x209: {  	v47 =	vld [tilespmem:s3+$0x0];
	v19 =	vmul.f32 v11, v2;
	v11 =	vand.u32 $0x3C00, v13;
	(erf) = vpow2.f32 v48  }
0x20a: {  	v29 =	vmax.f32 v28, v57;
	v28 =	vmul.f32 $1.442695020e+00, v63;
	(erf) = vpow2.f32 v23  }
0x20b: {  	v46 =	vld [tilespmem:s9+$0x380];
	v13 =	vor.u32 v11, v54;
	v11 =	vtrunc.f32 v55;
	(erf) = vpow2.f32 v1  }
0x20c: {  	v35 =	vld [tilespmem:s21+$0x100];
	v39 =	vmax.f32 v39, v40;
	v62 =	vmul.f32 $6.000000000e+01, v19;
	(erf) = vpow2.f32 v28  }
0x20d: {  	v33 =	vld [tilespmem:s13+$0x100];
	v3 =	vmax.f32 v39, v63;
	v28 =	vmul.f32 $1.442695020e+00, v30;
	(erf) = vpow2.f32 v31  }
0x20e: {  	s5 =	sor.u32 $0xC080, s5;
	v37 =	vld [tilespmem:s2+$0x100];
	v3 =	vmax.f32 v3, v43;
	v48 =	vmul.f32 $1.442695020e+00, v47;
	(erf) = vpow2.f32 v32  }
0x20f: {  	s15 =	sor.u32 s15, s5;
	v38 =	vld [tilespmem:s21+$0x280];
	v3 =	vmax.f32 v3, v44;
	v23 =	vadd.s32 v58, v27;
	(erf) = vpow2.f32 v28  }
0x210: {  	v2 =	vld [tilespmem:s15+$0x0];
	v27 =	vor.u32 v56, v26;
	v3 =	vmax.f32 v3, v45;
	v34 =	vpop (erf);
	(erf) = vpow2.f32 v51  }
0x211: {  	v40 =	vld [tilespmem:s2+$0x280];
	v3 =	vmax.f32 v3, v46;
	v30 =	vadd.s32 v58, v26;
	(erf) = vpow2.f32 v4;
	v53 =	vpop (erf)  }
0x212: {  	v39 =	vld [tilespmem:s21+$0x300];
	v4 =	vmul.f32 $1.442695020e+00, v46;
	v41 =	vadd.f32 v53, v34;
	v42 =	vpop (erf);
	(erf) = vpow2.f32 v52  }
0x213: {  	v31 =	vld [tilespmem:s21+$0x180];
	v34 =	vmax.f32 v29, v35;
	v29 =	vmul.f32 $1.442695020e+00, v35;
	(erf) = vpow2.f32 v5;
	v54 =	vpop (erf)  }
0x214: {  	v28 =	vadd.s32 v59, v26;
	v35 =	vld [tilespmem:s13+$0x180];
	v1 =	vadd.f32 v54, v41;
	v55 =	vpop (erf);
	(erf) = vpow2.f32 v4  }
0x215: {  	v32 =	vld [tilespmem:s2+$0x180];
	v26 =	vmax.f32 v49, v50;
	v4 =	vmul.f32 $1.442695020e+00, v37;
	(erf) = vpow2.f32 v29;
	v36 =	vpop (erf)  }
0x216: {  	v49 =	vmul.f32 $1.442695020e+00, v2;
	v41 =	vld [tilespmem:s13+$0x280];
	v1 =	vadd.f32 v36, v1;
	v51 =	vpop (erf);
	(erf) = vpow2.f32 v48  }
0x217: {  	v5 =	vmul.f32 $1.442695020e+00, v33;
	v50 =	vadd.f32 v55, v42;
	v29 =	vld [tilespmem:s21+$0x200];
	(erf) = vpow2.f32 v4;
	v56 =	vpop (erf)  }
0x218: {  	v42 =	vmax.f32 v0, v37;
	v37 =	vld [tilespmem:s13+$0x200];
	v4 =	vadd.f32 v56, v1;
	v48 =	vpop (erf);
	(erf) = vpow2.f32 v49  }
0x219: {  	v3 =	vmax.f32 v3, v47;
	v57 =	vmul.f32 $1.442695020e+00, v31;
	v36 =	vld [tilespmem:s2+$0x200];
	v53 =	vmul.f32 $1.442695020e+00, v35;
	v58 =	vpop (erf)  }
0x21a: {  	v43 =	vld [tilespmem:s13+$0x300];
	(erf) = vpow2.f32 v5;
	v5 =	vmul.f32 $1.442695020e+00, v32;
	v0 =	vadd.f32 v58, v4;
	v1 =	vpop (erf)  }
0x21b: {  	v44 =	vld [tilespmem:s2+$0x300];
	v26 =	vmax.f32 v26, v33;
	v56 =	vmul.f32 $1.442695020e+00, v40;
	(erf) = vpow2.f32 v57;
	v59 =	vpop (erf)  }
0x21c: {  	v45 =	vld [tilespmem:s21+$0x380];
	v61 =	vmul.f32 $1.442695020e+00, v29;
	(erf) = vpow2.f32 v5;
	v0 =	vadd.f32 v59, v0;
	v52 =	vpop (erf)  }
0x21d: {  	[tilespmem:$0x1FFC0] =	vst v62;
	v47 =	vld [tilespmem:s13+$0x380];
	v34 =	vmax.f32 v34, v31;
	v63 =	vmul.f32 $1.442695020e+00, v37;
	(erf) = vpow2.f32 v53;
	v62 =	vpop (erf)  }
0x21e: {  	s9 =	sor.u32 s6, s22;
	v46 =	vld [tilespmem:s2+$0x380];
	v58 =	vmul.f32 $1.442695020e+00, v41;
	v54 =	vmul.f32 $1.442695020e+00, v36;
	v0 =	vadd.f32 v62, v0;
	v55 =	vpop (erf)  }
0x21f: {  	s23 =	sor.u32 s8, s22;
	v49 =	vld [tilespmem:s9+$0x0];
	v5 =	vimm.f32 $1.000000000e+00;
	v53 =	vmax.f32 v3, v2;
	(erf) = vpow2.f32 v61;
	v59 =	vpop (erf)  }
0x220: {  	s8 =	sor.u32 s8, s5;
	v3 =	vadd.f32 v48, v51;
	v48 =	vld [tilespmem:s23+$0x0];
	v0 =	vadd.f32 v59, v0;
	v2 =	vpop (erf);
	(erf) = vpow2.f32 v54  }
0x221: {  	v4 =	vmov v60;
	v51 =	vld [tilespmem:s8+$0x0];
	v61 =	vmul.f32 $1.442695020e+00, v53;
	(erf) = vpow2.f32 v63;
	v62 =	vpop (erf)  }
0x222: {  	s6 =	sor.u32 s6, s5;
	[tilespmem:v20+s18+$0x0] =	vst.idx.add.f32.msk $0xffff, v5;
	v1 =	vadd.f32 v52, v1;
	v54 =	vmul.f32 $1.442695020e+00, v38;
	v0 =	vadd.f32 v62, v0  }
0x223: {  	s28 =	sadd.s32 $0x40, s28;
	v52 =	vld [tilespmem:s6+$0x0];
	v55 =	vadd.f32 v55, v50;
	v59 =	vmul.f32 $1.442695020e+00, v39;
	v57 =	vpop (erf);
	(erf) = vpow2.f32 v61  }
0x224: {  	v20 =	vld [tilespmem:s28+$0xFFFFFFE0];
	v2 =	vadd.f32 v2, v3;
	v61 =	vmul.f32 $1.442695020e+00, v43;
	v60 =	vpop (erf);
	(erf) = vrcp.f32 v0  }
0x225: {  	[tilespmem:v22+s18+$0x0] =	vst.idx.add.f32.msk $0xffff, v17;
	v1 =	vadd.f32 v57, v1;
	v57 =	vmul.f32 $1.442695020e+00, v45;
	v3 =	vpop (erf);
	(erf) = vpow2.f32 v54  }
0x226: {  	s22 =	sor.u32 s24, s22;
	v0 =	vmul.f32 $1.442695020e+00, v44;
	v55 =	vadd.f32 v60, v55;
	v60 =	vld [tilespmem:s28+$0x10];
	v63 =	vpop (erf);
	(erf) = vpow2.f32 v56  }
0x227: {  	v50 =	vld [tilespmem:s22+$0x0];
	v2 =	vadd.f32 v3, v2;
	v1 =	vadd.f32 v63, v1;
	(erf) = vpow2.f32 v58  }
0x228: {  	s5 =	sor.u32 s24, s5;
	[tilespmem:v21+s18+$0x0] =	vst.idx.add.f32.msk $0xffff, v7;
	v63 =	vor.u32 s0, v10;
	v58 =	vmul.f32 $1.442695020e+00, v46;
	v3 =	vpop (erf);
	(erf) = vpow2.f32 v59  }
0x229: {  	v54 =	vld [tilespmem:s5+$0x0];
	v63 =	vand.u32 $0x7F, v63;
	v59 =	vmul.f32 $1.442695020e+00, v47;
	v56 =	vpop (erf);
	(erf) = vpow2.f32 v0  }
0x22a: {  	v3 =	vadd.f32 v3, v55;
	v55 =	vld [tilespmem:s28+$0xFFFFFFF0];
	v0 =	vmul.f32 $1.442695020e+00, v48;
	v62 =	vpop (erf);
	(erf) = vpow2.f32 v61  }
0x22b: {  	[tilespmem:v25+s18+$0x0] =	vst.idx.add.f32.msk $0xffff, v5;
	v22 =	vshll.u32 v60, $0xB;
	v21 =	vshll.u32 v60, $0x7;
	(erf) = vpow2.f32 v57  }
0x22c: {  	[tilespmem:v24+s18+$0x0] =	vst.idx.add.f32.msk $0xffff, v16;
	v24 =	vmul.f32 $1.442695020e+00, v50;
	v57 =	vmov s0;
	(erf) = vpow2.f32 v58;
	v58 =	vpop (erf)  }
0x22d: {  	v2 =	vadd.f32 v56, v2;
	v56 =	vld [tilespmem:s28+$0x0];
	v57 =	vshll.u32 v57, $0x3;
	(erf) = vpow2.f32 v59;
	v59 =	vpop (erf)  }
0x22e: {  	v61 =	vmul.f32 $1.442695020e+00, v49;
	[tilespmem:v27+s18+$0x0] =	vst.idx.add.f32.msk $0xffff, v5;
	v17 =	vmul.f32 v59, v58;
	v59 =	vand.u32 $0x3C00, v57  }
0x22f: {  	v7 =	vand.u32 $0xFFFFC000, v22;
	[tilespmem:v28+s18+$0x0] =	vst.idx.add.f32.msk $0xffff, v9;
	v9 =	vmul.f32 $1.442695020e+00, v52;
	v58 =	vpop (erf);
	v22 =	vor.u32 v59, v63  }
0x230: {  	v57 =	vpop (erf);
	v59 =	vand.u32 $0x380, v21;
	v3 =	vadd.f32 v58, v3;
	v63 =	vmul.f32 $1.442695020e+00, v51  }
0x231: {  	v7 =	vor.u32 v7, v22;
	v60 =	vmul.f32 $6.000000000e+01, v17;
	v25 =	vpop (erf);
	v2 =	vadd.f32 v57, v2  }
0x232: {  	v57 =	vimm.f32 $0.0e+00;
	v7 =	vor.u32 v59, v7;
	v21 =	vpop (erf);
	(erf) = vpow2.f32 v0  }
0x233: {  	v0 =	vadd.f32 v62, v1;
	v62 =	vtrunc.f32 v60;
	v22 =	vpop (erf);
	(erf) = vpow2.f32 v61  }
0x234: {  	[tilespmem:v23+s18+$0x0] =	vst.idx.add.f32.msk $0xffff, v6;
	v3 =	vadd.f32 v21, v3;
	v1 =	vcvt.f32.s32 v62;
	v23 =	vpop (erf);
	(erf) = vpow2.f32 v24  }
0x235: {  	v0 =	vadd.f32 v25, v0;
	v2 =	vadd.f32 v22, v2;
	v22 =	vmax.f32 v34, v29  }
0x236: {  	v24 =	vmul.f32 $1.442695020e+00, v54;
	v16 =	vpop (erf);
	v22 =	vmax.f32 v22, v38;
	vm3 =	vlt.s32 v1, $0x3B  }
0x237: {  	v59 =	vld [tilespmem:$0x1FFE0];
	v25 =	vpop (erf);
	(erf) = vpow2.f32 v63;
	v0 =	vadd.f32 v23, v0;
	v3 =	vadd.f32 v16, v3  }
0x238: {  	v58 =	vld [tilespmem:$0x1FFF0];
	v1 =	vnsel vm3, $0x3B, v1;
	v28 =	vpop (erf);
	(erf) = vpow2.f32 v9;
	v9 =	vmax.f32 v42, v32  }
0x239: {  	v27 =	vld.idx.msk [tilespmem:v7+s14+$0x0], $0xffff;
	v7 =	vmovc v8;
	v8 =	vmax.f32 v26, v35;
	v2 =	vadd.f32 v25, v2;
	v1 =	vshll.u32 v1, $0x7  }
0x23a: {  	(erf) = vpow2.f32 v24;
	v9 =	vmax.f32 v9, v36;
	v8 =	vmax.f32 v8, v37  }
0x23b: {  	v6 =	vmovc v18;
	v0 =	vadd.f32 v28, v0;
	v18 =	vor.u32 v10, v1;
	v9 =	vmax.f32 v9, v40  }
0x23c: {  	v60 =	vmovc v19;
	v19 =	vadd.s32 v59, v1;
	v8 =	vmax.f32 v8, v41;
	v9 =	vmax.f32 v9, v44  }
0x23d: {  	v1 =	vadd.s32 v58, v1;
	v8 =	vmax.f32 v8, v43;
	v21 =	vpop (erf);
	v9 =	vmax.f32 v9, v46  }
0x23e: {  	v8 =	vmax.f32 v8, v47;
	vm12 =	veq.f32 v27, v53;
	v3 =	vadd.f32 v21, v3  }
0x23f: {  	v23 =	vpop (erf);
	v9 =	vmax.f32 v9, v49;
	v8 =	vmax.f32 v8, v50;
	v16 =	vsel vm12, $0x3F800000, v57  }
0x240: {  	v24 =	vpop (erf);
	v2 =	vadd.f32 v23, v2;
	v21 =	vmax.f32 v8, v54;
	[tilespmem:v18+s18+$0x0] =	vst.idx.add.f32.msk $0xffff, v5;
	v18 =	vshll.u32 v20, $0xB  }
0x241: {  	v0 =	vadd.f32 v24, v0;
	[tilespmem:v19+s18+$0x0] =	vst.idx.add.f32.msk $0xffff, v16;
	v16 =	vmax.f32 v22, v39;
	v19 =	vshll.u32 v55, $0xB  }
0x242: {  	v44 =	vpop (erf);
	v22 =	vmax.f32 v9, v52;
	v9 =	vmul.f32 $1.442695020e+00, v21;
	v50 =	vand.u32 $0xFFFFC000, v18  }
0x243: {  	v52 =	vshll.u32 v55, $0x7;
	[tilespmem:v1+s18+$0x0] =	vst.idx.add.f32.msk $0xffff, v17;
	v16 =	vmax.f32 v16, v45;
	v17 =	vpop (erf);
	v1 =	vadd.f32 v44, v3  }
0x244: {  	v8 =	vmul.f32 $1.442695020e+00, v22;
	v25 =	vpop (erf);
	v16 =	vmax.f32 v16, v48;
	v2 =	vadd.f32 v17, v2  }
0x245: {  	v23 =	vmax.f32 v16, v51;
	v0 =	vadd.f32 v25, v0;
	(erf) = vrcp.f32 v1  }
0x246: {  	v18 =	vshll.u32 v56, $0x7;
	v49 =	vmul.f32 $1.442695020e+00, v23;
	(erf) = vrcp.f32 v2  }
0x247: {  	v55 =	vld [tilespmem:$0x1FFC0];
	v54 =	vand.u32 $0x380, v18;
	v17 =	vand.u32 $0xFFFFC000, v19;
	(erf) = vrcp.f32 v0  }
0x248: {  	v16 =	vshll.u32 v56, $0xB;
	v51 =	vshll.u32 v20, $0x7;
	(erf) = vpow2.f32 v49  }
0x249: {  	v56 =	vlaneseq.u32;
	v1 =	vor.u32 v50, v15;
	(erf) = vpow2.f32 v8  }
0x24a: {  	v53 =	vor.u32 v17, v12;
	v17 =	vsel vm0, $0x3F800000, v57;
	v2 =	vand.u32 $0x380, v51  }
0x24b: {  	v16 =	vand.u32 $0xFFFFC000, v16;
	v1 =	vor.u32 v2, v1;
	v0 =	vand.u32 $0x380, v52  }
0x24c: {  	s29 =	sadd.s32 $0x4, s29;
	v3 =	vtrunc.f32 v55;
	v0 =	vor.u32 v0, v53;
	v8 =	vor.u32 v16, v13  }
0x24d: {  	p0 =	slt.u32 s29, $0x7C;
	v3 =	vcvt.f32.s32 v3;
	v2 =	vor.u32 v54, v8;
	v8 =	vcvt.f32.s32 v11  }
.Ltmp2:
0x24e: {  	v13 =	vcvt.f32.s32 v14;
	v16 =	vsel vm1, $0x3F800000, v57;
	(erf) = vpow2.f32 v9;
	v15 =	vpop (erf);
	(pc) =	sbr.rel @p0 .LBB2_7-.Ltmp2, $4  }
0x24f: {  	[tilespmem:v30+s18+$0x0] =	vst.idx.add.f32.msk $0xffff, v4;
	v9 =	vsel vm2, $0x3F800000, v57;
	vm15 =	vlt.s32 v3, $0x3B;
	vm13 =	vlt.s32 v8, $0x3B;
	v12 =	vpop (erf)  }
0x250: {  	vm14 =	vlt.s32 v13, $0x3B;
	v63 =	vnsel vm15, $0x3B, v3;
	v10 =	vld.idx.msk [tilespmem:v1+s14+$0x0], $0xffff;
	v61 =	vnsel vm13, $0x3B, v8;
	v11 =	vpop (erf)  }
0x251: {  	v26 =	vshll.u32 v63, $0x7;
	v8 =	vnsel vm14, $0x3B, v13;
	v14 =	vld.idx.msk [tilespmem:v0+s14+$0x0], $0xffff;
	v25 =	vshll.u32 v61, $0x7;
	v62 =	vpop (erf)  }
0x252: {  	s30 =	sadd.s32 $0x200, s30;
	s31 =	sadd.s32 $0x40, s31;
	v27 =	vshll.u32 v8, $0x7;
	v24 =	vld.idx.msk [tilespmem:v2+s14+$0x0], $0xffff;
	v20 =	vor.u32 v56, v25;
	v8 =	vmul.f32 v15, v62;
	v13 =	vpop (erf)  }
0x253: {  	_ = 	snop  }
0x254: {  	v1 =	vadd.s32 v59, v25;
	v0 =	vmul.f32 $6.000000000e+01, v8  }
0x255: {  	v2 =	vmul.f32 v12, v13;
	v46 =	vadd.s32 v58, v25;
	v47 =	vor.u32 v56, v27  }
0x256: {  	v15 =	vadd.s32 v59, v27;
	v48 =	vor.u32 v56, v26;
	v0 =	vtrunc.f32 v0  }
0x257: {  	v4 =	vimm.f32 $1.000000000e+00;
	v13 =	vmul.f32 $6.000000000e+01, v2;
	v3 =	vpop (erf);
	v0 =	vcvt.f32.s32 v0  }
0x258: {  	v19 =	vadd.s32 v58, v27;
	[tilespmem:v20+s18+$0x0] =	vst.idx.add.f32.msk $0xffff, v4;
	v3 =	vmul.f32 v11, v3  }
0x259: {  	v49 =	vadd.s32 v59, v26;
	[tilespmem:v1+s18+$0x0] =	vst.idx.add.f32.msk $0xffff, v17;
	v1 =	vtrunc.f32 v13;
	vm0 =	vlt.s32 v0, $0x3B  }
0x25a: {  	[tilespmem:v47+s18+$0x0] =	vst.idx.add.f32.msk $0xffff, v4;
	v1 =	vcvt.f32.s32 v1;
	v18 =	vmul.f32 $6.000000000e+01, v3;
	v0 =	vnsel vm0, $0x3B, v0  }
0x25b: {  	v50 =	vadd.s32 v58, v26;
	[tilespmem:v48+s18+$0x0] =	vst.idx.add.f32.msk $0xffff, v4;
	v0 =	vshll.u32 v0, $0x7  }
0x25c: {  	[tilespmem:v46+s18+$0x0] =	vst.idx.add.f32.msk $0xffff, v7;
	vm12 =	vlt.s32 v1, $0x3B;
	v51 =	vtrunc.f32 v18;
	v52 =	vor.u32 v56, v0  }
0x25d: {  	[tilespmem:v15+s18+$0x0] =	vst.idx.add.f32.msk $0xffff, v16;
	v1 =	vnsel vm12, $0x3B, v1;
	v54 =	vadd.s32 v59, v0;
	v53 =	vcvt.f32.s32 v51  }
0x25e: {  	[tilespmem:v49+s18+$0x0] =	vst.idx.add.f32.msk $0xffff, v9;
	v0 =	vadd.s32 v58, v0;
	v1 =	vshll.u32 v1, $0x7  }
0x25f: {  	[tilespmem:v19+s18+$0x0] =	vst.idx.add.f32.msk $0xffff, v6;
	v55 =	vor.u32 v56, v1;
	vm13 =	vlt.s32 v53, $0x3B  }
0x260: {  	vm1 =	veq.f32 v10, v23;
	[tilespmem:v50+s18+$0x0] =	vst.idx.add.f32.msk $0xffff, v60;
	v60 =	vadd.s32 v59, v1;
	v5 =	vnsel vm13, $0x3B, v53  }
0x261: {  	v61 =	vsel vm1, $0x3F800000, v57;
	v1 =	vadd.s32 v58, v1;
	v5 =	vshll.u32 v5, $0x7;
	[tilespmem:v52+s18+$0x0] =	vst.idx.add.f32.msk $0xffff, v4  }
0x262: {  	v62 =	vor.u32 v56, v5;
	[tilespmem:v54+s18+$0x0] =	vst.idx.add.f32.msk $0xffff, v61  }
0x263: {  	s26 =	sadd.s32 $0x1, s26;
	vm14 =	veq.f32 v14, v22;
	v63 =	vadd.s32 v59, v5;
	[tilespmem:v0+s18+$0x0] =	vst.idx.add.f32.msk $0xffff, v8  }
0x264: {  	p0 =	sne.s32 s26, $0x20;
	v5 =	vadd.s32 v58, v5;
	v0 =	vsel vm14, $0x3F800000, v57;
	[tilespmem:v55+s18+$0x0] =	vst.idx.add.f32.msk $0xffff, v4  }
.Ltmp3:
0x265: {  	[tilespmem:v60+s18+$0x0] =	vst.idx.add.f32.msk $0xffff, v0;
	(pc) =	sbr.rel @p0 .LBB2_4-.Ltmp3, $4  }
0x266: {  	vm15 =	veq.f32 v24, v21;
	[tilespmem:v1+s18+$0x0] =	vst.idx.add.f32.msk $0xffff, v2  }
0x267: {  	v0 =	vsel vm15, $0x3F800000, v57;
	[tilespmem:v62+s18+$0x0] =	vst.idx.add.f32.msk $0xffff, v4  }
0x268: {  	[tilespmem:v63+s18+$0x0] =	vst.idx.add.f32.msk $0xffff, v0  }
0x269: {  	v0 =	vimm.f32 $1.000000000e+00;
	[tilespmem:v5+s18+$0x0] =	vst.idx.add.f32.msk $0xffff, v3  }
0x26a: {  	s0 =	rddreg [dreg:$0x7];
	s1 =	simm.s32 $0x400  }
0x26b: {  	[hbm4b:s0+s1] =	stream.strided.scatter [tilespmem:s18], [sflag:$0x5], $0x5800, s14, s1, $0x38;
	[tilespmem:$0x16C00] =	vst v63  }
0x26c: {  	s29 =	simm.s32 $0x16800;
	s30 =	simm.s32 $0x5;
	s0 =	sadd.s32 $0x16000, s0  }
0x26d: {  	[hbm4b:s0+s4] =	stream.linear.scatter [tilespmem:s29], [sflag:$0x5], $0x200, $0x38;
	[tilespmem:$0x16C00] =	vst v63  }
0x26e: {  	_ =	swait.ge [sflag:s30], $0x5A00  }
0x26f: {  	s2 =	rddreg [dreg:$0x9]  }
0x270: {  	s31 =	rddreg [dreg:$0x8];
	s2 =	sadd.s32 $0x1, s2  }
0x271: {  	p0 =	sne.s32 s2, s31  }
.Ltmp4:
0x272: {  	_ = 	snop;
	(pc) =	sbr.rel @p0 .LBB2_1-.Ltmp4, $3  }
0x273: {  	_ =	sdelay $0x1  }
0x274: {  	[sflag:s30] =	ssyncset.done $0x0  }
0x275: {  	[sflag:s30] =	ssyncadd.s32 $0xFFFFA600  }
0x276: {  	_ =	sfence.sel $0x180000  }
0x277: {  	[bflag:$0x0] =	sbarrier.arrive $0xFFFF  }
0x278: {  	_ =	strace $0x90000047  }
0x279: {  	s0 =	stileid.u32;
	[bflag:$0x2] =	sbarrier.arrive $0xFFFF  }
0x27a: {  	p0 =	sne.s32 s0, $0x0;
	s0 =	rddreg [dreg:$0x3]  }
0x27b: {  	s0 =	sadd.s32 @!p0 $0x100000, s0  }
0x27c: {  	[sflag:s0] =	ssyncadd.tile.s32 @!p0 $0x1;
	_ =	shalt  }
.Lfunc_end2:
_tile_overlayer_lowered:
.L_overlay_start_2:
0x27d: {  	(tag) =	ssettag $0x2  }
0x27e: {  	s0 =	rddreg [dreg:$0x0];
	s2 =	stileid.u32  }
0x27f: {  	s1 =	rddreg [dreg:$0x1];
	p0 =	sne.s32 s2, $0x0  }
0x280: {  	s3 =	rddreg [dreg:$0x2];
	[bflag:$0x3] =	sbarrier.arrive $0xFFFF;
	s2 =	simm.s32 @!p0 $0x1C05  }
0x281: {  	[timem:s3], [sflag:s2] =	dma.local @!p0 [hbm:s0], s1  }
0x282: {  	s0 =	simm.s32 @!p0 $0x5  }
0x283: {  	_ =	swait.ge @!p0 [sflag:s0], s1  }
0x284: {  	s1 =	ssub.s32 @!p0 $0x0, s1;
	[sflag:s0] =	ssyncset.done @!p0 $0x0  }
0x285: {  	[sflag:s0] =	ssyncadd.s32 @!p0 s1  }
0x286: {  	[bflag:$0x3] =	sbarrier.arrive $0xFFFF  }
0x287: {  	_ =	shalt  }

</sc_bundles>
